<compile_context>
chip_gen: v7x
topology: tpu7x:2x2x1
jax: 0.10.2.dev20260603
libtpu: 0.0.44.dev20260713+nightly
codegen_flags: <defaults>
</compile_context>

<pallas_src>
import functools

import jax
import jax.numpy as jnp
from jax import lax
from jax.experimental import pallas as pl
from jax.experimental.pallas import tpu as pltpu
from jax.experimental.pallas import tpu_sc as plsc

_MAX_LEN = 8192
_D_MODEL = 768
_NUM_WORKERS = 32
_ROWS_PER_WORKER = _MAX_LEN // _NUM_WORKERS


_CHUNK_ROWS = 32
_NUM_CHUNKS = _ROWS_PER_WORKER // _CHUNK_ROWS
_NBUF = 4
_NQ = 2


@functools.partial(
    pl.kernel,
    out_type=jax.ShapeDtypeStruct((_MAX_LEN, _D_MODEL), jnp.float32),
    mesh=plsc.VectorSubcoreMesh(core_axis_name="c", subcore_axis_name="s"),
)
def _pos_encoding_copy(emb_hbm, out_hbm):
    pl.run_scoped(
        functools.partial(_worker_body, emb_hbm, out_hbm),
        pltpu.VMEM((_NBUF, _CHUNK_ROWS, _D_MODEL), jnp.float32),
        *([pltpu.SemaphoreType.DMA] * (2 * _NQ)),
    )


def _worker_body(emb_hbm, out_hbm, buf, *sems):
    in_sems, out_sems = sems[:_NQ], sems[_NQ:]
    wid = lax.axis_index("c") * _NUM_WORKERS // 2 + lax.axis_index("s")
    base = wid * _ROWS_PER_WORKER

    def copy_in(j):
        return pltpu.async_copy(
            emb_hbm.at[pl.ds(base + j * _CHUNK_ROWS, _CHUNK_ROWS)],
            buf.at[j % _NBUF],
            in_sems[j % _NQ],
        )

    def copy_out(j):
        return pltpu.async_copy(
            buf.at[j % _NBUF],
            out_hbm.at[pl.ds(base + j * _CHUNK_ROWS, _CHUNK_ROWS)],
            out_sems[j % _NQ],
        )

    ins = [None] * _NUM_CHUNKS
    outs = [None] * _NUM_CHUNKS
    for j in range(_NBUF):
        ins[j] = copy_in(j)
    for j in range(_NUM_CHUNKS):
        ins[j].wait()
        outs[j] = copy_out(j)
        nxt = j + _NBUF
        if nxt < _NUM_CHUNKS:
            outs[j].wait()
            ins[nxt] = copy_in(nxt)
    for j in range(_NUM_CHUNKS - _NBUF, _NUM_CHUNKS):
        if j >= 0:
            outs[j].wait()


def kernel(x, embedding):
    del x
    return _pos_encoding_copy(embedding)[None]

# --- scband reference (transcript-rebuilt; emitter-appended) ---
"""Pipeline reference for scband-learnable-positional-encoding-5351529251309 (READ-ONLY COPY).

The authoritative reference and input builder live on the scoring server;
editing this copy changes nothing except your own understanding.
"""

import jax, jax.numpy as jnp
import numpy as np

MAX_LEN = 8192
D_MODEL = 768


def setup_inputs(seed: int = 0) -> dict:
    key = jax.random.key(seed)
    k1, k2 = jax.random.split(key)
    x = jax.random.normal(k1, (4, 8192), dtype=jnp.float32)
    embedding = jax.random.normal(k2, (MAX_LEN, D_MODEL), dtype=jnp.float32) * 0.02
    return {"x": x, "embedding": embedding}


def reference(x, embedding):
    # pos = arange(0, x.shape[1]) with a leading batch dim of 1
    pos = jnp.arange(0, x.shape[1], dtype=jnp.int32)[None, :]  # (1, seq_len)
    out = jnp.take(embedding, pos, axis=0)  # (1, seq_len, d_model)
    return out

if __name__ == "__main__":
    import jax
    _d = setup_inputs()
    print(jax.jit(kernel)(*tuple(_d.values())))

</pallas_src>

<mosaic_0001>
#map = affine_map<(d0, d1) -> (0, 0)>
module attributes {stable_mosaic.version = 14 : i64} {
  func.func @_pos_encoding_copy(%arg0: i32, %arg1: i32, %arg2: memref<8192x768xf32, #tpu.memory_space<hbm>>, %arg3: memref<8192x768xf32, #tpu.memory_space<hbm>>) attributes {dimension_semantics = [#tpu.dimension_semantics<core_parallel>, #tpu.dimension_semantics<subcore_parallel>], iteration_bounds = array<i64: 2, 16>, scalar_prefetch = 0 : i64, scratch_operands = 0 : i64, tpu.core_type = #tpu.core_type<sc_vector_subcore>, window_params = [{transform_indices = #map}, {transform_indices = #map}]} {
    "tpu.region"() ({
      %run_scoped3A = memref.alloca() : memref<4x32x768xf32, #tpu.memory_space<vmem>>
      %run_scoped3A_0 = tpu.sem_alloc : memref<!tpu.dma_semaphore, #tpu.memory_space<semaphore_mem>>
      %run_scoped3A_1 = tpu.sem_alloc : memref<!tpu.dma_semaphore, #tpu.memory_space<semaphore_mem>>
      %run_scoped3A_2 = tpu.sem_alloc : memref<!tpu.dma_semaphore, #tpu.memory_space<semaphore_mem>>
      %run_scoped3A_3 = tpu.sem_alloc : memref<!tpu.dma_semaphore, #tpu.memory_space<semaphore_mem>>
      %mul3A = arith.constant 32 : i32
      %mul3A_4 = arith.muli %arg0, %mul3A : i32
      %jit3A = arith.constant 2 : i32
      %div3A = arith.divsi %mul3A_4, %jit3A : i32
      %sign3A = arith.constant 0 : i32
      %sign3A_5 = arith.cmpi sgt, %mul3A_4, %sign3A : i32
      %sign3A_6 = arith.extui %sign3A_5 : i1 to i32
      %sign3A_7 = arith.constant 0 : i32
      %sign3A_8 = arith.cmpi slt, %mul3A_4, %sign3A_7 : i32
      %sign3A_9 = arith.extui %sign3A_8 : i1 to i32
      %sign3A_10 = arith.subi %sign3A_6, %sign3A_9 : i32
      %sign3A_11 = arith.constant 0 : i32
      %sign3A_12 = arith.cmpi sgt, %jit3A, %sign3A_11 : i32
      %sign3A_13 = arith.extui %sign3A_12 : i1 to i32
      %sign3A_14 = arith.constant 0 : i32
      %sign3A_15 = arith.cmpi slt, %jit3A, %sign3A_14 : i32
      %sign3A_16 = arith.extui %sign3A_15 : i1 to i32
      %sign3A_17 = arith.subi %sign3A_13, %sign3A_16 : i32
      %ne3A = arith.cmpi ne, %sign3A_10, %sign3A_17 : i32
      %rem3A = arith.remsi %mul3A_4, %jit3A : i32
      %ne3A_18 = arith.constant 0 : i32
      %ne3A_19 = arith.cmpi ne, %rem3A, %ne3A_18 : i32
      %and3A = arith.andi %ne3A, %ne3A_19 : i1
      %sub3A = arith.constant 1 : i32
      %sub3A_20 = arith.subi %div3A, %sub3A : i32
      %select_n3A = arith.select %and3A, %sub3A_20, %div3A : i32
      %add3A = arith.addi %select_n3A, %arg1 : i32
      %mul3A_21 = arith.constant 256 : i32
      %mul3A_22 = arith.muli %add3A, %mul3A_21 : i32
      %add3A_23 = arith.constant 0 : i32
      %add3A_24 = arith.addi %mul3A_22, %add3A_23 : i32
      %dma_start3A = arith.constant 0 : i32
      %dma_start3A_25 = arith.constant 0 : i32
      %dma_start3A_26 = arith.constant 0 : i32
      %dma_start3A_27 = tpu.memref_slice %run_scoped3A[%dma_start3A, %dma_start3A_25, %dma_start3A_26] : memref<4x32x768xf32, #tpu.memory_space<vmem>> -> memref<1x32x768xf32, #tpu.memory_space<vmem>>
      %dma_start3A_28 = tpu.memref_squeeze %dma_start3A_27 : memref<1x32x768xf32, #tpu.memory_space<vmem>> -> memref<32x768xf32, #tpu.memory_space<vmem>>
      %dma_start3A_29 = arith.constant 0 : i32
      %dma_start3A_30 = tpu.memref_slice %arg2[%add3A_24, %dma_start3A_29] : memref<8192x768xf32, #tpu.memory_space<hbm>> -> memref<32x768xf32, #tpu.memory_space<hbm>>
      %dma_start3A_31 = arith.constant 0 : i32
      %dma_start3A_32 = arith.constant 0 : i32
      %dma_start3A_33 = tpu.memref_slice %run_scoped3A[%dma_start3A, %dma_start3A_31, %dma_start3A_32] : memref<4x32x768xf32, #tpu.memory_space<vmem>> -> memref<1x32x768xf32, #tpu.memory_space<vmem>>
      %dma_start3A_34 = tpu.memref_squeeze %dma_start3A_33 : memref<1x32x768xf32, #tpu.memory_space<vmem>> -> memref<32x768xf32, #tpu.memory_space<vmem>>
      %dma_start3A_35 = arith.constant 0 : i32
      %dma_start3A_36 = tpu.memref_slice %arg2[%add3A_24, %dma_start3A_35] : memref<8192x768xf32, #tpu.memory_space<hbm>> -> memref<32x768xf32, #tpu.memory_space<hbm>>
      tpu.enqueue_dma source(%dma_start3A_36 : memref<32x768xf32, #tpu.memory_space<hbm>>) target(%dma_start3A_34 : memref<32x768xf32, #tpu.memory_space<vmem>>) target_semaphore(%run_scoped3A_0 : memref<!tpu.dma_semaphore, #tpu.memory_space<semaphore_mem>>)
      %add3A_37 = arith.constant 32 : i32
      %add3A_38 = arith.addi %mul3A_22, %add3A_37 : i32
      %dma_start3A_39 = arith.constant 1 : i32
      %dma_start3A_40 = arith.constant 0 : i32
      %dma_start3A_41 = arith.constant 0 : i32
      %dma_start3A_42 = tpu.memref_slice %run_scoped3A[%dma_start3A_39, %dma_start3A_40, %dma_start3A_41] : memref<4x32x768xf32, #tpu.memory_space<vmem>> -> memref<1x32x768xf32, #tpu.memory_space<vmem>>
      %dma_start3A_43 = tpu.memref_squeeze %dma_start3A_42 : memref<1x32x768xf32, #tpu.memory_space<vmem>> -> memref<32x768xf32, #tpu.memory_space<vmem>>
      %dma_start3A_44 = arith.constant 0 : i32
      %dma_start3A_45 = tpu.memref_slice %arg2[%add3A_38, %dma_start3A_44] : memref<8192x768xf32, #tpu.memory_space<hbm>> -> memref<32x768xf32, #tpu.memory_space<hbm>>
      %dma_start3A_46 = arith.constant 0 : i32
      %dma_start3A_47 = arith.constant 0 : i32
      %dma_start3A_48 = tpu.memref_slice %run_scoped3A[%dma_start3A_39, %dma_start3A_46, %dma_start3A_47] : memref<4x32x768xf32, #tpu.memory_space<vmem>> -> memref<1x32x768xf32, #tpu.memory_space<vmem>>
      %dma_start3A_49 = tpu.memref_squeeze %dma_start3A_48 : memref<1x32x768xf32, #tpu.memory_space<vmem>> -> memref<32x768xf32, #tpu.memory_space<vmem>>
      %dma_start3A_50 = arith.constant 0 : i32
      %dma_start3A_51 = tpu.memref_slice %arg2[%add3A_38, %dma_start3A_50] : memref<8192x768xf32, #tpu.memory_space<hbm>> -> memref<32x768xf32, #tpu.memory_space<hbm>>
      tpu.enqueue_dma source(%dma_start3A_51 : memref<32x768xf32, #tpu.memory_space<hbm>>) target(%dma_start3A_49 : memref<32x768xf32, #tpu.memory_space<vmem>>) target_semaphore(%run_scoped3A_1 : memref<!tpu.dma_semaphore, #tpu.memory_space<semaphore_mem>>)
      %add3A_52 = arith.constant 64 : i32
      %add3A_53 = arith.addi %mul3A_22, %add3A_52 : i32
      %dma_start3A_54 = arith.constant 2 : i32
      %dma_start3A_55 = arith.constant 0 : i32
      %dma_start3A_56 = arith.constant 0 : i32
      %dma_start3A_57 = tpu.memref_slice %run_scoped3A[%dma_start3A_54, %dma_start3A_55, %dma_start3A_56] : memref<4x32x768xf32, #tpu.memory_space<vmem>> -> memref<1x32x768xf32, #tpu.memory_space<vmem>>
      %dma_start3A_58 = tpu.memref_squeeze %dma_start3A_57 : memref<1x32x768xf32, #tpu.memory_space<vmem>> -> memref<32x768xf32, #tpu.memory_space<vmem>>
      %dma_start3A_59 = arith.constant 0 : i32
      %dma_start3A_60 = tpu.memref_slice %arg2[%add3A_53, %dma_start3A_59] : memref<8192x768xf32, #tpu.memory_space<hbm>> -> memref<32x768xf32, #tpu.memory_space<hbm>>
      %dma_start3A_61 = arith.constant 0 : i32
      %dma_start3A_62 = arith.constant 0 : i32
      %dma_start3A_63 = tpu.memref_slice %run_scoped3A[%dma_start3A_54, %dma_start3A_61, %dma_start3A_62] : memref<4x32x768xf32, #tpu.memory_space<vmem>> -> memref<1x32x768xf32, #tpu.memory_space<vmem>>
      %dma_start3A_64 = tpu.memref_squeeze %dma_start3A_63 : memref<1x32x768xf32, #tpu.memory_space<vmem>> -> memref<32x768xf32, #tpu.memory_space<vmem>>
      %dma_start3A_65 = arith.constant 0 : i32
      %dma_start3A_66 = tpu.memref_slice %arg2[%add3A_53, %dma_start3A_65] : memref<8192x768xf32, #tpu.memory_space<hbm>> -> memref<32x768xf32, #tpu.memory_space<hbm>>
      tpu.enqueue_dma source(%dma_start3A_66 : memref<32x768xf32, #tpu.memory_space<hbm>>) target(%dma_start3A_64 : memref<32x768xf32, #tpu.memory_space<vmem>>) target_semaphore(%run_scoped3A_0 : memref<!tpu.dma_semaphore, #tpu.memory_space<semaphore_mem>>)
      %add3A_67 = arith.constant 96 : i32
      %add3A_68 = arith.addi %mul3A_22, %add3A_67 : i32
      %dma_start3A_69 = arith.constant 3 : i32
      %dma_start3A_70 = arith.constant 0 : i32
      %dma_start3A_71 = arith.constant 0 : i32
      %dma_start3A_72 = tpu.memref_slice %run_scoped3A[%dma_start3A_69, %dma_start3A_70, %dma_start3A_71] : memref<4x32x768xf32, #tpu.memory_space<vmem>> -> memref<1x32x768xf32, #tpu.memory_space<vmem>>
      %dma_start3A_73 = tpu.memref_squeeze %dma_start3A_72 : memref<1x32x768xf32, #tpu.memory_space<vmem>> -> memref<32x768xf32, #tpu.memory_space<vmem>>
      %dma_start3A_74 = arith.constant 0 : i32
      %dma_start3A_75 = tpu.memref_slice %arg2[%add3A_68, %dma_start3A_74] : memref<8192x768xf32, #tpu.memory_space<hbm>> -> memref<32x768xf32, #tpu.memory_space<hbm>>
      %dma_start3A_76 = arith.constant 0 : i32
      %dma_start3A_77 = arith.constant 0 : i32
      %dma_start3A_78 = tpu.memref_slice %run_scoped3A[%dma_start3A_69, %dma_start3A_76, %dma_start3A_77] : memref<4x32x768xf32, #tpu.memory_space<vmem>> -> memref<1x32x768xf32, #tpu.memory_space<vmem>>
      %dma_start3A_79 = tpu.memref_squeeze %dma_start3A_78 : memref<1x32x768xf32, #tpu.memory_space<vmem>> -> memref<32x768xf32, #tpu.memory_space<vmem>>
      %dma_start3A_80 = arith.constant 0 : i32
      %dma_start3A_81 = tpu.memref_slice %arg2[%add3A_68, %dma_start3A_80] : memref<8192x768xf32, #tpu.memory_space<hbm>> -> memref<32x768xf32, #tpu.memory_space<hbm>>
      tpu.enqueue_dma source(%dma_start3A_81 : memref<32x768xf32, #tpu.memory_space<hbm>>) target(%dma_start3A_79 : memref<32x768xf32, #tpu.memory_space<vmem>>) target_semaphore(%run_scoped3A_1 : memref<!tpu.dma_semaphore, #tpu.memory_space<semaphore_mem>>)
      %dma_wait3A = arith.constant 0 : i32
      %dma_wait3A_82 = arith.constant 0 : i32
      %dma_wait3A_83 = arith.constant 0 : i32
      %dma_wait3A_84 = tpu.memref_slice %run_scoped3A[%dma_wait3A, %dma_wait3A_82, %dma_wait3A_83] : memref<4x32x768xf32, #tpu.memory_space<vmem>> -> memref<1x32x768xf32, #tpu.memory_space<vmem>>
      %dma_wait3A_85 = tpu.memref_squeeze %dma_wait3A_84 : memref<1x32x768xf32, #tpu.memory_space<vmem>> -> memref<32x768xf32, #tpu.memory_space<vmem>>
      %dma_wait3A_86 = arith.constant 0 : i32
      %dma_wait3A_87 = tpu.memref_slice %arg2[%add3A_24, %dma_wait3A_86] : memref<8192x768xf32, #tpu.memory_space<hbm>> -> memref<32x768xf32, #tpu.memory_space<hbm>>
      %dma_wait3A_88 = arith.constant 0 : i32
      %dma_wait3A_89 = arith.constant 0 : i32
      %dma_wait3A_90 = tpu.memref_slice %run_scoped3A[%dma_wait3A, %dma_wait3A_88, %dma_wait3A_89] : memref<4x32x768xf32, #tpu.memory_space<vmem>> -> memref<1x32x768xf32, #tpu.memory_space<vmem>>
      %dma_wait3A_91 = tpu.memref_squeeze %dma_wait3A_90 : memref<1x32x768xf32, #tpu.memory_space<vmem>> -> memref<32x768xf32, #tpu.memory_space<vmem>>
      %dma_wait3A_92 = arith.constant 0 : i32
      %dma_wait3A_93 = tpu.memref_slice %arg2[%add3A_24, %dma_wait3A_92] : memref<8192x768xf32, #tpu.memory_space<hbm>> -> memref<32x768xf32, #tpu.memory_space<hbm>>
      tpu.wait_dma2 semaphore(%run_scoped3A_0 : memref<!tpu.dma_semaphore, #tpu.memory_space<semaphore_mem>>) src(%dma_wait3A_93 : memref<32x768xf32, #tpu.memory_space<hbm>>) dst(%dma_wait3A_91 : memref<32x768xf32, #tpu.memory_space<vmem>>)
      %add3A_94 = arith.constant 0 : i32
      %add3A_95 = arith.addi %mul3A_22, %add3A_94 : i32
      %dma_start3A_96 = arith.constant 0 : i32
      %dma_start3A_97 = arith.constant 0 : i32
      %dma_start3A_98 = arith.constant 0 : i32
      %dma_start3A_99 = tpu.memref_slice %run_scoped3A[%dma_start3A_96, %dma_start3A_97, %dma_start3A_98] : memref<4x32x768xf32, #tpu.memory_space<vmem>> -> memref<1x32x768xf32, #tpu.memory_space<vmem>>
      %dma_start3A_100 = tpu.memref_squeeze %dma_start3A_99 : memref<1x32x768xf32, #tpu.memory_space<vmem>> -> memref<32x768xf32, #tpu.memory_space<vmem>>
      %dma_start3A_101 = arith.constant 0 : i32
      %dma_start3A_102 = tpu.memref_slice %arg3[%add3A_95, %dma_start3A_101] : memref<8192x768xf32, #tpu.memory_space<hbm>> -> memref<32x768xf32, #tpu.memory_space<hbm>>
      %dma_start3A_103 = arith.constant 0 : i32
      %dma_start3A_104 = tpu.memref_slice %arg3[%add3A_95, %dma_start3A_103] : memref<8192x768xf32, #tpu.memory_space<hbm>> -> memref<32x768xf32, #tpu.memory_space<hbm>>
      %dma_start3A_105 = arith.constant 0 : i32
      %dma_start3A_106 = arith.constant 0 : i32
      %dma_start3A_107 = tpu.memref_slice %run_scoped3A[%dma_start3A_96, %dma_start3A_105, %dma_start3A_106] : memref<4x32x768xf32, #tpu.memory_space<vmem>> -> memref<1x32x768xf32, #tpu.memory_space<vmem>>
      %dma_start3A_108 = tpu.memref_squeeze %dma_start3A_107 : memref<1x32x768xf32, #tpu.memory_space<vmem>> -> memref<32x768xf32, #tpu.memory_space<vmem>>
      tpu.enqueue_dma source(%dma_start3A_108 : memref<32x768xf32, #tpu.memory_space<vmem>>) target(%dma_start3A_104 : memref<32x768xf32, #tpu.memory_space<hbm>>) target_semaphore(%run_scoped3A_2 : memref<!tpu.dma_semaphore, #tpu.memory_space<semaphore_mem>>)
      %dma_wait3A_109 = arith.constant 0 : i32
      %dma_wait3A_110 = arith.constant 0 : i32
      %dma_wait3A_111 = arith.constant 0 : i32
      %dma_wait3A_112 = tpu.memref_slice %run_scoped3A[%dma_wait3A_109, %dma_wait3A_110, %dma_wait3A_111] : memref<4x32x768xf32, #tpu.memory_space<vmem>> -> memref<1x32x768xf32, #tpu.memory_space<vmem>>
      %dma_wait3A_113 = tpu.memref_squeeze %dma_wait3A_112 : memref<1x32x768xf32, #tpu.memory_space<vmem>> -> memref<32x768xf32, #tpu.memory_space<vmem>>
      %dma_wait3A_114 = arith.constant 0 : i32
      %dma_wait3A_115 = tpu.memref_slice %arg3[%add3A_95, %dma_wait3A_114] : memref<8192x768xf32, #tpu.memory_space<hbm>> -> memref<32x768xf32, #tpu.memory_space<hbm>>
      %dma_wait3A_116 = arith.constant 0 : i32
      %dma_wait3A_117 = tpu.memref_slice %arg3[%add3A_95, %dma_wait3A_116] : memref<8192x768xf32, #tpu.memory_space<hbm>> -> memref<32x768xf32, #tpu.memory_space<hbm>>
      %dma_wait3A_118 = arith.constant 0 : i32
      %dma_wait3A_119 = arith.constant 0 : i32
      %dma_wait3A_120 = tpu.memref_slice %run_scoped3A[%dma_wait3A_109, %dma_wait3A_118, %dma_wait3A_119] : memref<4x32x768xf32, #tpu.memory_space<vmem>> -> memref<1x32x768xf32, #tpu.memory_space<vmem>>
      %dma_wait3A_121 = tpu.memref_squeeze %dma_wait3A_120 : memref<1x32x768xf32, #tpu.memory_space<vmem>> -> memref<32x768xf32, #tpu.memory_space<vmem>>
      tpu.wait_dma2 semaphore(%run_scoped3A_2 : memref<!tpu.dma_semaphore, #tpu.memory_space<semaphore_mem>>) src(%dma_wait3A_121 : memref<32x768xf32, #tpu.memory_space<vmem>>) dst(%dma_wait3A_117 : memref<32x768xf32, #tpu.memory_space<hbm>>)
      %add3A_122 = arith.constant 128 : i32
      %add3A_123 = arith.addi %mul3A_22, %add3A_122 : i32
      %dma_start3A_124 = arith.constant 0 : i32
      %dma_start3A_125 = arith.constant 0 : i32
      %dma_start3A_126 = arith.constant 0 : i32
      %dma_start3A_127 = tpu.memref_slice %run_scoped3A[%dma_start3A_124, %dma_start3A_125, %dma_start3A_126] : memref<4x32x768xf32, #tpu.memory_space<vmem>> -> memref<1x32x768xf32, #tpu.memory_space<vmem>>
      %dma_start3A_128 = tpu.memref_squeeze %dma_start3A_127 : memref<1x32x768xf32, #tpu.memory_space<vmem>> -> memref<32x768xf32, #tpu.memory_space<vmem>>
      %dma_start3A_129 = arith.constant 0 : i32
      %dma_start3A_130 = tpu.memref_slice %arg2[%add3A_123, %dma_start3A_129] : memref<8192x768xf32, #tpu.memory_space<hbm>> -> memref<32x768xf32, #tpu.memory_space<hbm>>
      %dma_start3A_131 = arith.constant 0 : i32
      %dma_start3A_132 = arith.constant 0 : i32
      %dma_start3A_133 = tpu.memref_slice %run_scoped3A[%dma_start3A_124, %dma_start3A_131, %dma_start3A_132] : memref<4x32x768xf32, #tpu.memory_space<vmem>> -> memref<1x32x768xf32, #tpu.memory_space<vmem>>
      %dma_start3A_134 = tpu.memref_squeeze %dma_start3A_133 : memref<1x32x768xf32, #tpu.memory_space<vmem>> -> memref<32x768xf32, #tpu.memory_space<vmem>>
      %dma_start3A_135 = arith.constant 0 : i32
      %dma_start3A_136 = tpu.memref_slice %arg2[%add3A_123, %dma_start3A_135] : memref<8192x768xf32, #tpu.memory_space<hbm>> -> memref<32x768xf32, #tpu.memory_space<hbm>>
      tpu.enqueue_dma source(%dma_start3A_136 : memref<32x768xf32, #tpu.memory_space<hbm>>) target(%dma_start3A_134 : memref<32x768xf32, #tpu.memory_space<vmem>>) target_semaphore(%run_scoped3A_0 : memref<!tpu.dma_semaphore, #tpu.memory_space<semaphore_mem>>)
      %dma_wait3A_137 = arith.constant 1 : i32
      %dma_wait3A_138 = arith.constant 0 : i32
      %dma_wait3A_139 = arith.constant 0 : i32
      %dma_wait3A_140 = tpu.memref_slice %run_scoped3A[%dma_wait3A_137, %dma_wait3A_138, %dma_wait3A_139] : memref<4x32x768xf32, #tpu.memory_space<vmem>> -> memref<1x32x768xf32, #tpu.memory_space<vmem>>
      %dma_wait3A_141 = tpu.memref_squeeze %dma_wait3A_140 : memref<1x32x768xf32, #tpu.memory_space<vmem>> -> memref<32x768xf32, #tpu.memory_space<vmem>>
      %dma_wait3A_142 = arith.constant 0 : i32
      %dma_wait3A_143 = tpu.memref_slice %arg2[%add3A_38, %dma_wait3A_142] : memref<8192x768xf32, #tpu.memory_space<hbm>> -> memref<32x768xf32, #tpu.memory_space<hbm>>
      %dma_wait3A_144 = arith.constant 0 : i32
      %dma_wait3A_145 = arith.constant 0 : i32
      %dma_wait3A_146 = tpu.memref_slice %run_scoped3A[%dma_wait3A_137, %dma_wait3A_144, %dma_wait3A_145] : memref<4x32x768xf32, #tpu.memory_space<vmem>> -> memref<1x32x768xf32, #tpu.memory_space<vmem>>
      %dma_wait3A_147 = tpu.memref_squeeze %dma_wait3A_146 : memref<1x32x768xf32, #tpu.memory_space<vmem>> -> memref<32x768xf32, #tpu.memory_space<vmem>>
      %dma_wait3A_148 = arith.constant 0 : i32
      %dma_wait3A_149 = tpu.memref_slice %arg2[%add3A_38, %dma_wait3A_148] : memref<8192x768xf32, #tpu.memory_space<hbm>> -> memref<32x768xf32, #tpu.memory_space<hbm>>
      tpu.wait_dma2 semaphore(%run_scoped3A_1 : memref<!tpu.dma_semaphore, #tpu.memory_space<semaphore_mem>>) src(%dma_wait3A_149 : memref<32x768xf32, #tpu.memory_space<hbm>>) dst(%dma_wait3A_147 : memref<32x768xf32, #tpu.memory_space<vmem>>)
      %add3A_150 = arith.constant 32 : i32
      %add3A_151 = arith.addi %mul3A_22, %add3A_150 : i32
      %dma_start3A_152 = arith.constant 1 : i32
      %dma_start3A_153 = arith.constant 0 : i32
      %dma_start3A_154 = arith.constant 0 : i32
      %dma_start3A_155 = tpu.memref_slice %run_scoped3A[%dma_start3A_152, %dma_start3A_153, %dma_start3A_154] : memref<4x32x768xf32, #tpu.memory_space<vmem>> -> memref<1x32x768xf32, #tpu.memory_space<vmem>>
      %dma_start3A_156 = tpu.memref_squeeze %dma_start3A_155 : memref<1x32x768xf32, #tpu.memory_space<vmem>> -> memref<32x768xf32, #tpu.memory_space<vmem>>
      %dma_start3A_157 = arith.constant 0 : i32
      %dma_start3A_158 = tpu.memref_slice %arg3[%add3A_151, %dma_start3A_157] : memref<8192x768xf32, #tpu.memory_space<hbm>> -> memref<32x768xf32, #tpu.memory_space<hbm>>
      %dma_start3A_159 = arith.constant 0 : i32
      %dma_start3A_160 = tpu.memref_slice %arg3[%add3A_151, %dma_start3A_159] : memref<8192x768xf32, #tpu.memory_space<hbm>> -> memref<32x768xf32, #tpu.memory_space<hbm>>
      %dma_start3A_161 = arith.constant 0 : i32
      %dma_start3A_162 = arith.constant 0 : i32
      %dma_start3A_163 = tpu.memref_slice %run_scoped3A[%dma_start3A_152, %dma_start3A_161, %dma_start3A_162] : memref<4x32x768xf32, #tpu.memory_space<vmem>> -> memref<1x32x768xf32, #tpu.memory_space<vmem>>
      %dma_start3A_164 = tpu.memref_squeeze %dma_start3A_163 : memref<1x32x768xf32, #tpu.memory_space<vmem>> -> memref<32x768xf32, #tpu.memory_space<vmem>>
      tpu.enqueue_dma source(%dma_start3A_164 : memref<32x768xf32, #tpu.memory_space<vmem>>) target(%dma_start3A_160 : memref<32x768xf32, #tpu.memory_space<hbm>>) target_semaphore(%run_scoped3A_3 : memref<!tpu.dma_semaphore, #tpu.memory_space<semaphore_mem>>)
      %dma_wait3A_165 = arith.constant 1 : i32
      %dma_wait3A_166 = arith.constant 0 : i32
      %dma_wait3A_167 = arith.constant 0 : i32
      %dma_wait3A_168 = tpu.memref_slice %run_scoped3A[%dma_wait3A_165, %dma_wait3A_166, %dma_wait3A_167] : memref<4x32x768xf32, #tpu.memory_space<vmem>> -> memref<1x32x768xf32, #tpu.memory_space<vmem>>
      %dma_wait3A_169 = tpu.memref_squeeze %dma_wait3A_168 : memref<1x32x768xf32, #tpu.memory_space<vmem>> -> memref<32x768xf32, #tpu.memory_space<vmem>>
      %dma_wait3A_170 = arith.constant 0 : i32
      %dma_wait3A_171 = tpu.memref_slice %arg3[%add3A_151, %dma_wait3A_170] : memref<8192x768xf32, #tpu.memory_space<hbm>> -> memref<32x768xf32, #tpu.memory_space<hbm>>
      %dma_wait3A_172 = arith.constant 0 : i32
      %dma_wait3A_173 = tpu.memref_slice %arg3[%add3A_151, %dma_wait3A_172] : memref<8192x768xf32, #tpu.memory_space<hbm>> -> memref<32x768xf32, #tpu.memory_space<hbm>>
      %dma_wait3A_174 = arith.constant 0 : i32
      %dma_wait3A_175 = arith.constant 0 : i32
      %dma_wait3A_176 = tpu.memref_slice %run_scoped3A[%dma_wait3A_165, %dma_wait3A_174, %dma_wait3A_175] : memref<4x32x768xf32, #tpu.memory_space<vmem>> -> memref<1x32x768xf32, #tpu.memory_space<vmem>>
      %dma_wait3A_177 = tpu.memref_squeeze %dma_wait3A_176 : memref<1x32x768xf32, #tpu.memory_space<vmem>> -> memref<32x768xf32, #tpu.memory_space<vmem>>
      tpu.wait_dma2 semaphore(%run_scoped3A_3 : memref<!tpu.dma_semaphore, #tpu.memory_space<semaphore_mem>>) src(%dma_wait3A_177 : memref<32x768xf32, #tpu.memory_space<vmem>>) dst(%dma_wait3A_173 : memref<32x768xf32, #tpu.memory_space<hbm>>)
      %add3A_178 = arith.constant 160 : i32
      %add3A_179 = arith.addi %mul3A_22, %add3A_178 : i32
      %dma_start3A_180 = arith.constant 1 : i32
      %dma_start3A_181 = arith.constant 0 : i32
      %dma_start3A_182 = arith.constant 0 : i32
      %dma_start3A_183 = tpu.memref_slice %run_scoped3A[%dma_start3A_180, %dma_start3A_181, %dma_start3A_182] : memref<4x32x768xf32, #tpu.memory_space<vmem>> -> memref<1x32x768xf32, #tpu.memory_space<vmem>>
      %dma_start3A_184 = tpu.memref_squeeze %dma_start3A_183 : memref<1x32x768xf32, #tpu.memory_space<vmem>> -> memref<32x768xf32, #tpu.memory_space<vmem>>
      %dma_start3A_185 = arith.constant 0 : i32
      %dma_start3A_186 = tpu.memref_slice %arg2[%add3A_179, %dma_start3A_185] : memref<8192x768xf32, #tpu.memory_space<hbm>> -> memref<32x768xf32, #tpu.memory_space<hbm>>
      %dma_start3A_187 = arith.constant 0 : i32
      %dma_start3A_188 = arith.constant 0 : i32
      %dma_start3A_189 = tpu.memref_slice %run_scoped3A[%dma_start3A_180, %dma_start3A_187, %dma_start3A_188] : memref<4x32x768xf32, #tpu.memory_space<vmem>> -> memref<1x32x768xf32, #tpu.memory_space<vmem>>
      %dma_start3A_190 = tpu.memref_squeeze %dma_start3A_189 : memref<1x32x768xf32, #tpu.memory_space<vmem>> -> memref<32x768xf32, #tpu.memory_space<vmem>>
      %dma_start3A_191 = arith.constant 0 : i32
      %dma_start3A_192 = tpu.memref_slice %arg2[%add3A_179, %dma_start3A_191] : memref<8192x768xf32, #tpu.memory_space<hbm>> -> memref<32x768xf32, #tpu.memory_space<hbm>>
      tpu.enqueue_dma source(%dma_start3A_192 : memref<32x768xf32, #tpu.memory_space<hbm>>) target(%dma_start3A_190 : memref<32x768xf32, #tpu.memory_space<vmem>>) target_semaphore(%run_scoped3A_1 : memref<!tpu.dma_semaphore, #tpu.memory_space<semaphore_mem>>)
      %dma_wait3A_193 = arith.constant 2 : i32
      %dma_wait3A_194 = arith.constant 0 : i32
      %dma_wait3A_195 = arith.constant 0 : i32
      %dma_wait3A_196 = tpu.memref_slice %run_scoped3A[%dma_wait3A_193, %dma_wait3A_194, %dma_wait3A_195] : memref<4x32x768xf32, #tpu.memory_space<vmem>> -> memref<1x32x768xf32, #tpu.memory_space<vmem>>
      %dma_wait3A_197 = tpu.memref_squeeze %dma_wait3A_196 : memref<1x32x768xf32, #tpu.memory_space<vmem>> -> memref<32x768xf32, #tpu.memory_space<vmem>>
      %dma_wait3A_198 = arith.constant 0 : i32
      %dma_wait3A_199 = tpu.memref_slice %arg2[%add3A_53, %dma_wait3A_198] : memref<8192x768xf32, #tpu.memory_space<hbm>> -> memref<32x768xf32, #tpu.memory_space<hbm>>
      %dma_wait3A_200 = arith.constant 0 : i32
      %dma_wait3A_201 = arith.constant 0 : i32
      %dma_wait3A_202 = tpu.memref_slice %run_scoped3A[%dma_wait3A_193, %dma_wait3A_200, %dma_wait3A_201] : memref<4x32x768xf32, #tpu.memory_space<vmem>> -> memref<1x32x768xf32, #tpu.memory_space<vmem>>
      %dma_wait3A_203 = tpu.memref_squeeze %dma_wait3A_202 : memref<1x32x768xf32, #tpu.memory_space<vmem>> -> memref<32x768xf32, #tpu.memory_space<vmem>>
      %dma_wait3A_204 = arith.constant 0 : i32
      %dma_wait3A_205 = tpu.memref_slice %arg2[%add3A_53, %dma_wait3A_204] : memref<8192x768xf32, #tpu.memory_space<hbm>> -> memref<32x768xf32, #tpu.memory_space<hbm>>
      tpu.wait_dma2 semaphore(%run_scoped3A_0 : memref<!tpu.dma_semaphore, #tpu.memory_space<semaphore_mem>>) src(%dma_wait3A_205 : memref<32x768xf32, #tpu.memory_space<hbm>>) dst(%dma_wait3A_203 : memref<32x768xf32, #tpu.memory_space<vmem>>)
      %add3A_206 = arith.constant 64 : i32
      %add3A_207 = arith.addi %mul3A_22, %add3A_206 : i32
      %dma_start3A_208 = arith.constant 2 : i32
      %dma_start3A_209 = arith.constant 0 : i32
      %dma_start3A_210 = arith.constant 0 : i32
      %dma_start3A_211 = tpu.memref_slice %run_scoped3A[%dma_start3A_208, %dma_start3A_209, %dma_start3A_210] : memref<4x32x768xf32, #tpu.memory_space<vmem>> -> memref<1x32x768xf32, #tpu.memory_space<vmem>>
      %dma_start3A_212 = tpu.memref_squeeze %dma_start3A_211 : memref<1x32x768xf32, #tpu.memory_space<vmem>> -> memref<32x768xf32, #tpu.memory_space<vmem>>
      %dma_start3A_213 = arith.constant 0 : i32
      %dma_start3A_214 = tpu.memref_slice %arg3[%add3A_207, %dma_start3A_213] : memref<8192x768xf32, #tpu.memory_space<hbm>> -> memref<32x768xf32, #tpu.memory_space<hbm>>
      %dma_start3A_215 = arith.constant 0 : i32
      %dma_start3A_216 = tpu.memref_slice %arg3[%add3A_207, %dma_start3A_215] : memref<8192x768xf32, #tpu.memory_space<hbm>> -> memref<32x768xf32, #tpu.memory_space<hbm>>
      %dma_start3A_217 = arith.constant 0 : i32
      %dma_start3A_218 = arith.constant 0 : i32
      %dma_start3A_219 = tpu.memref_slice %run_scoped3A[%dma_start3A_208, %dma_start3A_217, %dma_start3A_218] : memref<4x32x768xf32, #tpu.memory_space<vmem>> -> memref<1x32x768xf32, #tpu.memory_space<vmem>>
      %dma_start3A_220 = tpu.memref_squeeze %dma_start3A_219 : memref<1x32x768xf32, #tpu.memory_space<vmem>> -> memref<32x768xf32, #tpu.memory_space<vmem>>
      tpu.enqueue_dma source(%dma_start3A_220 : memref<32x768xf32, #tpu.memory_space<vmem>>) target(%dma_start3A_216 : memref<32x768xf32, #tpu.memory_space<hbm>>) target_semaphore(%run_scoped3A_2 : memref<!tpu.dma_semaphore, #tpu.memory_space<semaphore_mem>>)
      %dma_wait3A_221 = arith.constant 2 : i32
      %dma_wait3A_222 = arith.constant 0 : i32
      %dma_wait3A_223 = arith.constant 0 : i32
      %dma_wait3A_224 = tpu.memref_slice %run_scoped3A[%dma_wait3A_221, %dma_wait3A_222, %dma_wait3A_223] : memref<4x32x768xf32, #tpu.memory_space<vmem>> -> memref<1x32x768xf32, #tpu.memory_space<vmem>>
      %dma_wait3A_225 = tpu.memref_squeeze %dma_wait3A_224 : memref<1x32x768xf32, #tpu.memory_space<vmem>> -> memref<32x768xf32, #tpu.memory_space<vmem>>
      %dma_wait3A_226 = arith.constant 0 : i32
      %dma_wait3A_227 = tpu.memref_slice %arg3[%add3A_207, %dma_wait3A_226] : memref<8192x768xf32, #tpu.memory_space<hbm>> -> memref<32x768xf32, #tpu.memory_space<hbm>>
      %dma_wait3A_228 = arith.constant 0 : i32
      %dma_wait3A_229 = tpu.memref_slice %arg3[%add3A_207, %dma_wait3A_228] : memref<8192x768xf32, #tpu.memory_space<hbm>> -> memref<32x768xf32, #tpu.memory_space<hbm>>
      %dma_wait3A_230 = arith.constant 0 : i32
      %dma_wait3A_231 = arith.constant 0 : i32
      %dma_wait3A_232 = tpu.memref_slice %run_scoped3A[%dma_wait3A_221, %dma_wait3A_230, %dma_wait3A_231] : memref<4x32x768xf32, #tpu.memory_space<vmem>> -> memref<1x32x768xf32, #tpu.memory_space<vmem>>
      %dma_wait3A_233 = tpu.memref_squeeze %dma_wait3A_232 : memref<1x32x768xf32, #tpu.memory_space<vmem>> -> memref<32x768xf32, #tpu.memory_space<vmem>>
      tpu.wait_dma2 semaphore(%run_scoped3A_2 : memref<!tpu.dma_semaphore, #tpu.memory_space<semaphore_mem>>) src(%dma_wait3A_233 : memref<32x768xf32, #tpu.memory_space<vmem>>) dst(%dma_wait3A_229 : memref<32x768xf32, #tpu.memory_space<hbm>>)
      %add3A_234 = arith.constant 192 : i32
      %add3A_235 = arith.addi %mul3A_22, %add3A_234 : i32
      %dma_start3A_236 = arith.constant 2 : i32
      %dma_start3A_237 = arith.constant 0 : i32
      %dma_start3A_238 = arith.constant 0 : i32
      %dma_start3A_239 = tpu.memref_slice %run_scoped3A[%dma_start3A_236, %dma_start3A_237, %dma_start3A_238] : memref<4x32x768xf32, #tpu.memory_space<vmem>> -> memref<1x32x768xf32, #tpu.memory_space<vmem>>
      %dma_start3A_240 = tpu.memref_squeeze %dma_start3A_239 : memref<1x32x768xf32, #tpu.memory_space<vmem>> -> memref<32x768xf32, #tpu.memory_space<vmem>>
      %dma_start3A_241 = arith.constant 0 : i32
      %dma_start3A_242 = tpu.memref_slice %arg2[%add3A_235, %dma_start3A_241] : memref<8192x768xf32, #tpu.memory_space<hbm>> -> memref<32x768xf32, #tpu.memory_space<hbm>>
      %dma_start3A_243 = arith.constant 0 : i32
      %dma_start3A_244 = arith.constant 0 : i32
      %dma_start3A_245 = tpu.memref_slice %run_scoped3A[%dma_start3A_236, %dma_start3A_243, %dma_start3A_244] : memref<4x32x768xf32, #tpu.memory_space<vmem>> -> memref<1x32x768xf32, #tpu.memory_space<vmem>>
      %dma_start3A_246 = tpu.memref_squeeze %dma_start3A_245 : memref<1x32x768xf32, #tpu.memory_space<vmem>> -> memref<32x768xf32, #tpu.memory_space<vmem>>
      %dma_start3A_247 = arith.constant 0 : i32
      %dma_start3A_248 = tpu.memref_slice %arg2[%add3A_235, %dma_start3A_247] : memref<8192x768xf32, #tpu.memory_space<hbm>> -> memref<32x768xf32, #tpu.memory_space<hbm>>
      tpu.enqueue_dma source(%dma_start3A_248 : memref<32x768xf32, #tpu.memory_space<hbm>>) target(%dma_start3A_246 : memref<32x768xf32, #tpu.memory_space<vmem>>) target_semaphore(%run_scoped3A_0 : memref<!tpu.dma_semaphore, #tpu.memory_space<semaphore_mem>>)
      %dma_wait3A_249 = arith.constant 3 : i32
      %dma_wait3A_250 = arith.constant 0 : i32
      %dma_wait3A_251 = arith.constant 0 : i32
      %dma_wait3A_252 = tpu.memref_slice %run_scoped3A[%dma_wait3A_249, %dma_wait3A_250, %dma_wait3A_251] : memref<4x32x768xf32, #tpu.memory_space<vmem>> -> memref<1x32x768xf32, #tpu.memory_space<vmem>>
      %dma_wait3A_253 = tpu.memref_squeeze %dma_wait3A_252 : memref<1x32x768xf32, #tpu.memory_space<vmem>> -> memref<32x768xf32, #tpu.memory_space<vmem>>
      %dma_wait3A_254 = arith.constant 0 : i32
      %dma_wait3A_255 = tpu.memref_slice %arg2[%add3A_68, %dma_wait3A_254] : memref<8192x768xf32, #tpu.memory_space<hbm>> -> memref<32x768xf32, #tpu.memory_space<hbm>>
      %dma_wait3A_256 = arith.constant 0 : i32
      %dma_wait3A_257 = arith.constant 0 : i32
      %dma_wait3A_258 = tpu.memref_slice %run_scoped3A[%dma_wait3A_249, %dma_wait3A_256, %dma_wait3A_257] : memref<4x32x768xf32, #tpu.memory_space<vmem>> -> memref<1x32x768xf32, #tpu.memory_space<vmem>>
      %dma_wait3A_259 = tpu.memref_squeeze %dma_wait3A_258 : memref<1x32x768xf32, #tpu.memory_space<vmem>> -> memref<32x768xf32, #tpu.memory_space<vmem>>
      %dma_wait3A_260 = arith.constant 0 : i32
      %dma_wait3A_261 = tpu.memref_slice %arg2[%add3A_68, %dma_wait3A_260] : memref<8192x768xf32, #tpu.memory_space<hbm>> -> memref<32x768xf32, #tpu.memory_space<hbm>>
      tpu.wait_dma2 semaphore(%run_scoped3A_1 : memref<!tpu.dma_semaphore, #tpu.memory_space<semaphore_mem>>) src(%dma_wait3A_261 : memref<32x768xf32, #tpu.memory_space<hbm>>) dst(%dma_wait3A_259 : memref<32x768xf32, #tpu.memory_space<vmem>>)
      %add3A_262 = arith.constant 96 : i32
      %add3A_263 = arith.addi %mul3A_22, %add3A_262 : i32
      %dma_start3A_264 = arith.constant 3 : i32
      %dma_start3A_265 = arith.constant 0 : i32
      %dma_start3A_266 = arith.constant 0 : i32
      %dma_start3A_267 = tpu.memref_slice %run_scoped3A[%dma_start3A_264, %dma_start3A_265, %dma_start3A_266] : memref<4x32x768xf32, #tpu.memory_space<vmem>> -> memref<1x32x768xf32, #tpu.memory_space<vmem>>
      %dma_start3A_268 = tpu.memref_squeeze %dma_start3A_267 : memref<1x32x768xf32, #tpu.memory_space<vmem>> -> memref<32x768xf32, #tpu.memory_space<vmem>>
      %dma_start3A_269 = arith.constant 0 : i32
      %dma_start3A_270 = tpu.memref_slice %arg3[%add3A_263, %dma_start3A_269] : memref<8192x768xf32, #tpu.memory_space<hbm>> -> memref<32x768xf32, #tpu.memory_space<hbm>>
      %dma_start3A_271 = arith.constant 0 : i32
      %dma_start3A_272 = tpu.memref_slice %arg3[%add3A_263, %dma_start3A_271] : memref<8192x768xf32, #tpu.memory_space<hbm>> -> memref<32x768xf32, #tpu.memory_space<hbm>>
      %dma_start3A_273 = arith.constant 0 : i32
      %dma_start3A_274 = arith.constant 0 : i32
      %dma_start3A_275 = tpu.memref_slice %run_scoped3A[%dma_start3A_264, %dma_start3A_273, %dma_start3A_274] : memref<4x32x768xf32, #tpu.memory_space<vmem>> -> memref<1x32x768xf32, #tpu.memory_space<vmem>>
      %dma_start3A_276 = tpu.memref_squeeze %dma_start3A_275 : memref<1x32x768xf32, #tpu.memory_space<vmem>> -> memref<32x768xf32, #tpu.memory_space<vmem>>
      tpu.enqueue_dma source(%dma_start3A_276 : memref<32x768xf32, #tpu.memory_space<vmem>>) target(%dma_start3A_272 : memref<32x768xf32, #tpu.memory_space<hbm>>) target_semaphore(%run_scoped3A_3 : memref<!tpu.dma_semaphore, #tpu.memory_space<semaphore_mem>>)
      %dma_wait3A_277 = arith.constant 3 : i32
      %dma_wait3A_278 = arith.constant 0 : i32
      %dma_wait3A_279 = arith.constant 0 : i32
      %dma_wait3A_280 = tpu.memref_slice %run_scoped3A[%dma_wait3A_277, %dma_wait3A_278, %dma_wait3A_279] : memref<4x32x768xf32, #tpu.memory_space<vmem>> -> memref<1x32x768xf32, #tpu.memory_space<vmem>>
      %dma_wait3A_281 = tpu.memref_squeeze %dma_wait3A_280 : memref<1x32x768xf32, #tpu.memory_space<vmem>> -> memref<32x768xf32, #tpu.memory_space<vmem>>
      %dma_wait3A_282 = arith.constant 0 : i32
      %dma_wait3A_283 = tpu.memref_slice %arg3[%add3A_263, %dma_wait3A_282] : memref<8192x768xf32, #tpu.memory_space<hbm>> -> memref<32x768xf32, #tpu.memory_space<hbm>>
      %dma_wait3A_284 = arith.constant 0 : i32
      %dma_wait3A_285 = tpu.memref_slice %arg3[%add3A_263, %dma_wait3A_284] : memref<8192x768xf32, #tpu.memory_space<hbm>> -> memref<32x768xf32, #tpu.memory_space<hbm>>
      %dma_wait3A_286 = arith.constant 0 : i32
      %dma_wait3A_287 = arith.constant 0 : i32
      %dma_wait3A_288 = tpu.memref_slice %run_scoped3A[%dma_wait3A_277, %dma_wait3A_286, %dma_wait3A_287] : memref<4x32x768xf32, #tpu.memory_space<vmem>> -> memref<1x32x768xf32, #tpu.memory_space<vmem>>
      %dma_wait3A_289 = tpu.memref_squeeze %dma_wait3A_288 : memref<1x32x768xf32, #tpu.memory_space<vmem>> -> memref<32x768xf32, #tpu.memory_space<vmem>>
      tpu.wait_dma2 semaphore(%run_scoped3A_3 : memref<!tpu.dma_semaphore, #tpu.memory_space<semaphore_mem>>) src(%dma_wait3A_289 : memref<32x768xf32, #tpu.memory_space<vmem>>) dst(%dma_wait3A_285 : memref<32x768xf32, #tpu.memory_space<hbm>>)
      %add3A_290 = arith.constant 224 : i32
      %add3A_291 = arith.addi %mul3A_22, %add3A_290 : i32
      %dma_start3A_292 = arith.constant 3 : i32
      %dma_start3A_293 = arith.constant 0 : i32
      %dma_start3A_294 = arith.constant 0 : i32
      %dma_start3A_295 = tpu.memref_slice %run_scoped3A[%dma_start3A_292, %dma_start3A_293, %dma_start3A_294] : memref<4x32x768xf32, #tpu.memory_space<vmem>> -> memref<1x32x768xf32, #tpu.memory_space<vmem>>
      %dma_start3A_296 = tpu.memref_squeeze %dma_start3A_295 : memref<1x32x768xf32, #tpu.memory_space<vmem>> -> memref<32x768xf32, #tpu.memory_space<vmem>>
      %dma_start3A_297 = arith.constant 0 : i32
      %dma_start3A_298 = tpu.memref_slice %arg2[%add3A_291, %dma_start3A_297] : memref<8192x768xf32, #tpu.memory_space<hbm>> -> memref<32x768xf32, #tpu.memory_space<hbm>>
      %dma_start3A_299 = arith.constant 0 : i32
      %dma_start3A_300 = arith.constant 0 : i32
      %dma_start3A_301 = tpu.memref_slice %run_scoped3A[%dma_start3A_292, %dma_start3A_299, %dma_start3A_300] : memref<4x32x768xf32, #tpu.memory_space<vmem>> -> memref<1x32x768xf32, #tpu.memory_space<vmem>>
      %dma_start3A_302 = tpu.memref_squeeze %dma_start3A_301 : memref<1x32x768xf32, #tpu.memory_space<vmem>> -> memref<32x768xf32, #tpu.memory_space<vmem>>
      %dma_start3A_303 = arith.constant 0 : i32
      %dma_start3A_304 = tpu.memref_slice %arg2[%add3A_291, %dma_start3A_303] : memref<8192x768xf32, #tpu.memory_space<hbm>> -> memref<32x768xf32, #tpu.memory_space<hbm>>
      tpu.enqueue_dma source(%dma_start3A_304 : memref<32x768xf32, #tpu.memory_space<hbm>>) target(%dma_start3A_302 : memref<32x768xf32, #tpu.memory_space<vmem>>) target_semaphore(%run_scoped3A_1 : memref<!tpu.dma_semaphore, #tpu.memory_space<semaphore_mem>>)
      %dma_wait3A_305 = arith.constant 0 : i32
      %dma_wait3A_306 = arith.constant 0 : i32
      %dma_wait3A_307 = arith.constant 0 : i32
      %dma_wait3A_308 = tpu.memref_slice %run_scoped3A[%dma_wait3A_305, %dma_wait3A_306, %dma_wait3A_307] : memref<4x32x768xf32, #tpu.memory_space<vmem>> -> memref<1x32x768xf32, #tpu.memory_space<vmem>>
      %dma_wait3A_309 = tpu.memref_squeeze %dma_wait3A_308 : memref<1x32x768xf32, #tpu.memory_space<vmem>> -> memref<32x768xf32, #tpu.memory_space<vmem>>
      %dma_wait3A_310 = arith.constant 0 : i32
      %dma_wait3A_311 = tpu.memref_slice %arg2[%add3A_123, %dma_wait3A_310] : memref<8192x768xf32, #tpu.memory_space<hbm>> -> memref<32x768xf32, #tpu.memory_space<hbm>>
      %dma_wait3A_312 = arith.constant 0 : i32
      %dma_wait3A_313 = arith.constant 0 : i32
      %dma_wait3A_314 = tpu.memref_slice %run_scoped3A[%dma_wait3A_305, %dma_wait3A_312, %dma_wait3A_313] : memref<4x32x768xf32, #tpu.memory_space<vmem>> -> memref<1x32x768xf32, #tpu.memory_space<vmem>>
      %dma_wait3A_315 = tpu.memref_squeeze %dma_wait3A_314 : memref<1x32x768xf32, #tpu.memory_space<vmem>> -> memref<32x768xf32, #tpu.memory_space<vmem>>
      %dma_wait3A_316 = arith.constant 0 : i32
      %dma_wait3A_317 = tpu.memref_slice %arg2[%add3A_123, %dma_wait3A_316] : memref<8192x768xf32, #tpu.memory_space<hbm>> -> memref<32x768xf32, #tpu.memory_space<hbm>>
      tpu.wait_dma2 semaphore(%run_scoped3A_0 : memref<!tpu.dma_semaphore, #tpu.memory_space<semaphore_mem>>) src(%dma_wait3A_317 : memref<32x768xf32, #tpu.memory_space<hbm>>) dst(%dma_wait3A_315 : memref<32x768xf32, #tpu.memory_space<vmem>>)
      %add3A_318 = arith.constant 128 : i32
      %add3A_319 = arith.addi %mul3A_22, %add3A_318 : i32
      %dma_start3A_320 = arith.constant 0 : i32
      %dma_start3A_321 = arith.constant 0 : i32
      %dma_start3A_322 = arith.constant 0 : i32
      %dma_start3A_323 = tpu.memref_slice %run_scoped3A[%dma_start3A_320, %dma_start3A_321, %dma_start3A_322] : memref<4x32x768xf32, #tpu.memory_space<vmem>> -> memref<1x32x768xf32, #tpu.memory_space<vmem>>
      %dma_start3A_324 = tpu.memref_squeeze %dma_start3A_323 : memref<1x32x768xf32, #tpu.memory_space<vmem>> -> memref<32x768xf32, #tpu.memory_space<vmem>>
      %dma_start3A_325 = arith.constant 0 : i32
      %dma_start3A_326 = tpu.memref_slice %arg3[%add3A_319, %dma_start3A_325] : memref<8192x768xf32, #tpu.memory_space<hbm>> -> memref<32x768xf32, #tpu.memory_space<hbm>>
      %dma_start3A_327 = arith.constant 0 : i32
      %dma_start3A_328 = tpu.memref_slice %arg3[%add3A_319, %dma_start3A_327] : memref<8192x768xf32, #tpu.memory_space<hbm>> -> memref<32x768xf32, #tpu.memory_space<hbm>>
      %dma_start3A_329 = arith.constant 0 : i32
      %dma_start3A_330 = arith.constant 0 : i32
      %dma_start3A_331 = tpu.memref_slice %run_scoped3A[%dma_start3A_320, %dma_start3A_329, %dma_start3A_330] : memref<4x32x768xf32, #tpu.memory_space<vmem>> -> memref<1x32x768xf32, #tpu.memory_space<vmem>>
      %dma_start3A_332 = tpu.memref_squeeze %dma_start3A_331 : memref<1x32x768xf32, #tpu.memory_space<vmem>> -> memref<32x768xf32, #tpu.memory_space<vmem>>
      tpu.enqueue_dma source(%dma_start3A_332 : memref<32x768xf32, #tpu.memory_space<vmem>>) target(%dma_start3A_328 : memref<32x768xf32, #tpu.memory_space<hbm>>) target_semaphore(%run_scoped3A_2 : memref<!tpu.dma_semaphore, #tpu.memory_space<semaphore_mem>>)
      %dma_wait3A_333 = arith.constant 1 : i32
      %dma_wait3A_334 = arith.constant 0 : i32
      %dma_wait3A_335 = arith.constant 0 : i32
      %dma_wait3A_336 = tpu.memref_slice %run_scoped3A[%dma_wait3A_333, %dma_wait3A_334, %dma_wait3A_335] : memref<4x32x768xf32, #tpu.memory_space<vmem>> -> memref<1x32x768xf32, #tpu.memory_space<vmem>>
      %dma_wait3A_337 = tpu.memref_squeeze %dma_wait3A_336 : memref<1x32x768xf32, #tpu.memory_space<vmem>> -> memref<32x768xf32, #tpu.memory_space<vmem>>
      %dma_wait3A_338 = arith.constant 0 : i32
      %dma_wait3A_339 = tpu.memref_slice %arg2[%add3A_179, %dma_wait3A_338] : memref<8192x768xf32, #tpu.memory_space<hbm>> -> memref<32x768xf32, #tpu.memory_space<hbm>>
      %dma_wait3A_340 = arith.constant 0 : i32
      %dma_wait3A_341 = arith.constant 0 : i32
      %dma_wait3A_342 = tpu.memref_slice %run_scoped3A[%dma_wait3A_333, %dma_wait3A_340, %dma_wait3A_341] : memref<4x32x768xf32, #tpu.memory_space<vmem>> -> memref<1x32x768xf32, #tpu.memory_space<vmem>>
      %dma_wait3A_343 = tpu.memref_squeeze %dma_wait3A_342 : memref<1x32x768xf32, #tpu.memory_space<vmem>> -> memref<32x768xf32, #tpu.memory_space<vmem>>
      %dma_wait3A_344 = arith.constant 0 : i32
      %dma_wait3A_345 = tpu.memref_slice %arg2[%add3A_179, %dma_wait3A_344] : memref<8192x768xf32, #tpu.memory_space<hbm>> -> memref<32x768xf32, #tpu.memory_space<hbm>>
      tpu.wait_dma2 semaphore(%run_scoped3A_1 : memref<!tpu.dma_semaphore, #tpu.memory_space<semaphore_mem>>) src(%dma_wait3A_345 : memref<32x768xf32, #tpu.memory_space<hbm>>) dst(%dma_wait3A_343 : memref<32x768xf32, #tpu.memory_space<vmem>>)
      %add3A_346 = arith.constant 160 : i32
      %add3A_347 = arith.addi %mul3A_22, %add3A_346 : i32
      %dma_start3A_348 = arith.constant 1 : i32
      %dma_start3A_349 = arith.constant 0 : i32
      %dma_start3A_350 = arith.constant 0 : i32
      %dma_start3A_351 = tpu.memref_slice %run_scoped3A[%dma_start3A_348, %dma_start3A_349, %dma_start3A_350] : memref<4x32x768xf32, #tpu.memory_space<vmem>> -> memref<1x32x768xf32, #tpu.memory_space<vmem>>
      %dma_start3A_352 = tpu.memref_squeeze %dma_start3A_351 : memref<1x32x768xf32, #tpu.memory_space<vmem>> -> memref<32x768xf32, #tpu.memory_space<vmem>>
      %dma_start3A_353 = arith.constant 0 : i32
      %dma_start3A_354 = tpu.memref_slice %arg3[%add3A_347, %dma_start3A_353] : memref<8192x768xf32, #tpu.memory_space<hbm>> -> memref<32x768xf32, #tpu.memory_space<hbm>>
      %dma_start3A_355 = arith.constant 0 : i32
      %dma_start3A_356 = tpu.memref_slice %arg3[%add3A_347, %dma_start3A_355] : memref<8192x768xf32, #tpu.memory_space<hbm>> -> memref<32x768xf32, #tpu.memory_space<hbm>>
      %dma_start3A_357 = arith.constant 0 : i32
      %dma_start3A_358 = arith.constant 0 : i32
      %dma_start3A_359 = tpu.memref_slice %run_scoped3A[%dma_start3A_348, %dma_start3A_357, %dma_start3A_358] : memref<4x32x768xf32, #tpu.memory_space<vmem>> -> memref<1x32x768xf32, #tpu.memory_space<vmem>>
      %dma_start3A_360 = tpu.memref_squeeze %dma_start3A_359 : memref<1x32x768xf32, #tpu.memory_space<vmem>> -> memref<32x768xf32, #tpu.memory_space<vmem>>
      tpu.enqueue_dma source(%dma_start3A_360 : memref<32x768xf32, #tpu.memory_space<vmem>>) target(%dma_start3A_356 : memref<32x768xf32, #tpu.memory_space<hbm>>) target_semaphore(%run_scoped3A_3 : memref<!tpu.dma_semaphore, #tpu.memory_space<semaphore_mem>>)
      %dma_wait3A_361 = arith.constant 2 : i32
      %dma_wait3A_362 = arith.constant 0 : i32
      %dma_wait3A_363 = arith.constant 0 : i32
      %dma_wait3A_364 = tpu.memref_slice %run_scoped3A[%dma_wait3A_361, %dma_wait3A_362, %dma_wait3A_363] : memref<4x32x768xf32, #tpu.memory_space<vmem>> -> memref<1x32x768xf32, #tpu.memory_space<vmem>>
      %dma_wait3A_365 = tpu.memref_squeeze %dma_wait3A_364 : memref<1x32x768xf32, #tpu.memory_space<vmem>> -> memref<32x768xf32, #tpu.memory_space<vmem>>
      %dma_wait3A_366 = arith.constant 0 : i32
      %dma_wait3A_367 = tpu.memref_slice %arg2[%add3A_235, %dma_wait3A_366] : memref<8192x768xf32, #tpu.memory_space<hbm>> -> memref<32x768xf32, #tpu.memory_space<hbm>>
      %dma_wait3A_368 = arith.constant 0 : i32
      %dma_wait3A_369 = arith.constant 0 : i32
      %dma_wait3A_370 = tpu.memref_slice %run_scoped3A[%dma_wait3A_361, %dma_wait3A_368, %dma_wait3A_369] : memref<4x32x768xf32, #tpu.memory_space<vmem>> -> memref<1x32x768xf32, #tpu.memory_space<vmem>>
      %dma_wait3A_371 = tpu.memref_squeeze %dma_wait3A_370 : memref<1x32x768xf32, #tpu.memory_space<vmem>> -> memref<32x768xf32, #tpu.memory_space<vmem>>
      %dma_wait3A_372 = arith.constant 0 : i32
      %dma_wait3A_373 = tpu.memref_slice %arg2[%add3A_235, %dma_wait3A_372] : memref<8192x768xf32, #tpu.memory_space<hbm>> -> memref<32x768xf32, #tpu.memory_space<hbm>>
      tpu.wait_dma2 semaphore(%run_scoped3A_0 : memref<!tpu.dma_semaphore, #tpu.memory_space<semaphore_mem>>) src(%dma_wait3A_373 : memref<32x768xf32, #tpu.memory_space<hbm>>) dst(%dma_wait3A_371 : memref<32x768xf32, #tpu.memory_space<vmem>>)
      %add3A_374 = arith.constant 192 : i32
      %add3A_375 = arith.addi %mul3A_22, %add3A_374 : i32
      %dma_start3A_376 = arith.constant 2 : i32
      %dma_start3A_377 = arith.constant 0 : i32
      %dma_start3A_378 = arith.constant 0 : i32
      %dma_start3A_379 = tpu.memref_slice %run_scoped3A[%dma_start3A_376, %dma_start3A_377, %dma_start3A_378] : memref<4x32x768xf32, #tpu.memory_space<vmem>> -> memref<1x32x768xf32, #tpu.memory_space<vmem>>
      %dma_start3A_380 = tpu.memref_squeeze %dma_start3A_379 : memref<1x32x768xf32, #tpu.memory_space<vmem>> -> memref<32x768xf32, #tpu.memory_space<vmem>>
      %dma_start3A_381 = arith.constant 0 : i32
      %dma_start3A_382 = tpu.memref_slice %arg3[%add3A_375, %dma_start3A_381] : memref<8192x768xf32, #tpu.memory_space<hbm>> -> memref<32x768xf32, #tpu.memory_space<hbm>>
      %dma_start3A_383 = arith.constant 0 : i32
      %dma_start3A_384 = tpu.memref_slice %arg3[%add3A_375, %dma_start3A_383] : memref<8192x768xf32, #tpu.memory_space<hbm>> -> memref<32x768xf32, #tpu.memory_space<hbm>>
      %dma_start3A_385 = arith.constant 0 : i32
      %dma_start3A_386 = arith.constant 0 : i32
      %dma_start3A_387 = tpu.memref_slice %run_scoped3A[%dma_start3A_376, %dma_start3A_385, %dma_start3A_386] : memref<4x32x768xf32, #tpu.memory_space<vmem>> -> memref<1x32x768xf32, #tpu.memory_space<vmem>>
      %dma_start3A_388 = tpu.memref_squeeze %dma_start3A_387 : memref<1x32x768xf32, #tpu.memory_space<vmem>> -> memref<32x768xf32, #tpu.memory_space<vmem>>
      tpu.enqueue_dma source(%dma_start3A_388 : memref<32x768xf32, #tpu.memory_space<vmem>>) target(%dma_start3A_384 : memref<32x768xf32, #tpu.memory_space<hbm>>) target_semaphore(%run_scoped3A_2 : memref<!tpu.dma_semaphore, #tpu.memory_space<semaphore_mem>>)
      %dma_wait3A_389 = arith.constant 3 : i32
      %dma_wait3A_390 = arith.constant 0 : i32
      %dma_wait3A_391 = arith.constant 0 : i32
      %dma_wait3A_392 = tpu.memref_slice %run_scoped3A[%dma_wait3A_389, %dma_wait3A_390, %dma_wait3A_391] : memref<4x32x768xf32, #tpu.memory_space<vmem>> -> memref<1x32x768xf32, #tpu.memory_space<vmem>>
      %dma_wait3A_393 = tpu.memref_squeeze %dma_wait3A_392 : memref<1x32x768xf32, #tpu.memory_space<vmem>> -> memref<32x768xf32, #tpu.memory_space<vmem>>
      %dma_wait3A_394 = arith.constant 0 : i32
      %dma_wait3A_395 = tpu.memref_slice %arg2[%add3A_291, %dma_wait3A_394] : memref<8192x768xf32, #tpu.memory_space<hbm>> -> memref<32x768xf32, #tpu.memory_space<hbm>>
      %dma_wait3A_396 = arith.constant 0 : i32
      %dma_wait3A_397 = arith.constant 0 : i32
      %dma_wait3A_398 = tpu.memref_slice %run_scoped3A[%dma_wait3A_389, %dma_wait3A_396, %dma_wait3A_397] : memref<4x32x768xf32, #tpu.memory_space<vmem>> -> memref<1x32x768xf32, #tpu.memory_space<vmem>>
      %dma_wait3A_399 = tpu.memref_squeeze %dma_wait3A_398 : memref<1x32x768xf32, #tpu.memory_space<vmem>> -> memref<32x768xf32, #tpu.memory_space<vmem>>
      %dma_wait3A_400 = arith.constant 0 : i32
      %dma_wait3A_401 = tpu.memref_slice %arg2[%add3A_291, %dma_wait3A_400] : memref<8192x768xf32, #tpu.memory_space<hbm>> -> memref<32x768xf32, #tpu.memory_space<hbm>>
      tpu.wait_dma2 semaphore(%run_scoped3A_1 : memref<!tpu.dma_semaphore, #tpu.memory_space<semaphore_mem>>) src(%dma_wait3A_401 : memref<32x768xf32, #tpu.memory_space<hbm>>) dst(%dma_wait3A_399 : memref<32x768xf32, #tpu.memory_space<vmem>>)
      %add3A_402 = arith.constant 224 : i32
      %add3A_403 = arith.addi %mul3A_22, %add3A_402 : i32
      %dma_start3A_404 = arith.constant 3 : i32
      %dma_start3A_405 = arith.constant 0 : i32
      %dma_start3A_406 = arith.constant 0 : i32
      %dma_start3A_407 = tpu.memref_slice %run_scoped3A[%dma_start3A_404, %dma_start3A_405, %dma_start3A_406] : memref<4x32x768xf32, #tpu.memory_space<vmem>> -> memref<1x32x768xf32, #tpu.memory_space<vmem>>
      %dma_start3A_408 = tpu.memref_squeeze %dma_start3A_407 : memref<1x32x768xf32, #tpu.memory_space<vmem>> -> memref<32x768xf32, #tpu.memory_space<vmem>>
      %dma_start3A_409 = arith.constant 0 : i32
      %dma_start3A_410 = tpu.memref_slice %arg3[%add3A_403, %dma_start3A_409] : memref<8192x768xf32, #tpu.memory_space<hbm>> -> memref<32x768xf32, #tpu.memory_space<hbm>>
      %dma_start3A_411 = arith.constant 0 : i32
      %dma_start3A_412 = tpu.memref_slice %arg3[%add3A_403, %dma_start3A_411] : memref<8192x768xf32, #tpu.memory_space<hbm>> -> memref<32x768xf32, #tpu.memory_space<hbm>>
      %dma_start3A_413 = arith.constant 0 : i32
      %dma_start3A_414 = arith.constant 0 : i32
      %dma_start3A_415 = tpu.memref_slice %run_scoped3A[%dma_start3A_404, %dma_start3A_413, %dma_start3A_414] : memref<4x32x768xf32, #tpu.memory_space<vmem>> -> memref<1x32x768xf32, #tpu.memory_space<vmem>>
      %dma_start3A_416 = tpu.memref_squeeze %dma_start3A_415 : memref<1x32x768xf32, #tpu.memory_space<vmem>> -> memref<32x768xf32, #tpu.memory_space<vmem>>
      tpu.enqueue_dma source(%dma_start3A_416 : memref<32x768xf32, #tpu.memory_space<vmem>>) target(%dma_start3A_412 : memref<32x768xf32, #tpu.memory_space<hbm>>) target_semaphore(%run_scoped3A_3 : memref<!tpu.dma_semaphore, #tpu.memory_space<semaphore_mem>>)
      %dma_wait3A_417 = arith.constant 0 : i32
      %dma_wait3A_418 = arith.constant 0 : i32
      %dma_wait3A_419 = arith.constant 0 : i32
      %dma_wait3A_420 = tpu.memref_slice %run_scoped3A[%dma_wait3A_417, %dma_wait3A_418, %dma_wait3A_419] : memref<4x32x768xf32, #tpu.memory_space<vmem>> -> memref<1x32x768xf32, #tpu.memory_space<vmem>>
      %dma_wait3A_421 = tpu.memref_squeeze %dma_wait3A_420 : memref<1x32x768xf32, #tpu.memory_space<vmem>> -> memref<32x768xf32, #tpu.memory_space<vmem>>
      %dma_wait3A_422 = arith.constant 0 : i32
      %dma_wait3A_423 = tpu.memref_slice %arg3[%add3A_319, %dma_wait3A_422] : memref<8192x768xf32, #tpu.memory_space<hbm>> -> memref<32x768xf32, #tpu.memory_space<hbm>>
      %dma_wait3A_424 = arith.constant 0 : i32
      %dma_wait3A_425 = tpu.memref_slice %arg3[%add3A_319, %dma_wait3A_424] : memref<8192x768xf32, #tpu.memory_space<hbm>> -> memref<32x768xf32, #tpu.memory_space<hbm>>
      %dma_wait3A_426 = arith.constant 0 : i32
      %dma_wait3A_427 = arith.constant 0 : i32
      %dma_wait3A_428 = tpu.memref_slice %run_scoped3A[%dma_wait3A_417, %dma_wait3A_426, %dma_wait3A_427] : memref<4x32x768xf32, #tpu.memory_space<vmem>> -> memref<1x32x768xf32, #tpu.memory_space<vmem>>
      %dma_wait3A_429 = tpu.memref_squeeze %dma_wait3A_428 : memref<1x32x768xf32, #tpu.memory_space<vmem>> -> memref<32x768xf32, #tpu.memory_space<vmem>>
      tpu.wait_dma2 semaphore(%run_scoped3A_2 : memref<!tpu.dma_semaphore, #tpu.memory_space<semaphore_mem>>) src(%dma_wait3A_429 : memref<32x768xf32, #tpu.memory_space<vmem>>) dst(%dma_wait3A_425 : memref<32x768xf32, #tpu.memory_space<hbm>>)
      %dma_wait3A_430 = arith.constant 1 : i32
      %dma_wait3A_431 = arith.constant 0 : i32
      %dma_wait3A_432 = arith.constant 0 : i32
      %dma_wait3A_433 = tpu.memref_slice %run_scoped3A[%dma_wait3A_430, %dma_wait3A_431, %dma_wait3A_432] : memref<4x32x768xf32, #tpu.memory_space<vmem>> -> memref<1x32x768xf32, #tpu.memory_space<vmem>>
      %dma_wait3A_434 = tpu.memref_squeeze %dma_wait3A_433 : memref<1x32x768xf32, #tpu.memory_space<vmem>> -> memref<32x768xf32, #tpu.memory_space<vmem>>
      %dma_wait3A_435 = arith.constant 0 : i32
      %dma_wait3A_436 = tpu.memref_slice %arg3[%add3A_347, %dma_wait3A_435] : memref<8192x768xf32, #tpu.memory_space<hbm>> -> memref<32x768xf32, #tpu.memory_space<hbm>>
      %dma_wait3A_437 = arith.constant 0 : i32
      %dma_wait3A_438 = tpu.memref_slice %arg3[%add3A_347, %dma_wait3A_437] : memref<8192x768xf32, #tpu.memory_space<hbm>> -> memref<32x768xf32, #tpu.memory_space<hbm>>
      %dma_wait3A_439 = arith.constant 0 : i32
      %dma_wait3A_440 = arith.constant 0 : i32
      %dma_wait3A_441 = tpu.memref_slice %run_scoped3A[%dma_wait3A_430, %dma_wait3A_439, %dma_wait3A_440] : memref<4x32x768xf32, #tpu.memory_space<vmem>> -> memref<1x32x768xf32, #tpu.memory_space<vmem>>
      %dma_wait3A_442 = tpu.memref_squeeze %dma_wait3A_441 : memref<1x32x768xf32, #tpu.memory_space<vmem>> -> memref<32x768xf32, #tpu.memory_space<vmem>>
      tpu.wait_dma2 semaphore(%run_scoped3A_3 : memref<!tpu.dma_semaphore, #tpu.memory_space<semaphore_mem>>) src(%dma_wait3A_442 : memref<32x768xf32, #tpu.memory_space<vmem>>) dst(%dma_wait3A_438 : memref<32x768xf32, #tpu.memory_space<hbm>>)
      %dma_wait3A_443 = arith.constant 2 : i32
      %dma_wait3A_444 = arith.constant 0 : i32
      %dma_wait3A_445 = arith.constant 0 : i32
      %dma_wait3A_446 = tpu.memref_slice %run_scoped3A[%dma_wait3A_443, %dma_wait3A_444, %dma_wait3A_445] : memref<4x32x768xf32, #tpu.memory_space<vmem>> -> memref<1x32x768xf32, #tpu.memory_space<vmem>>
      %dma_wait3A_447 = tpu.memref_squeeze %dma_wait3A_446 : memref<1x32x768xf32, #tpu.memory_space<vmem>> -> memref<32x768xf32, #tpu.memory_space<vmem>>
      %dma_wait3A_448 = arith.constant 0 : i32
      %dma_wait3A_449 = tpu.memref_slice %arg3[%add3A_375, %dma_wait3A_448] : memref<8192x768xf32, #tpu.memory_space<hbm>> -> memref<32x768xf32, #tpu.memory_space<hbm>>
      %dma_wait3A_450 = arith.constant 0 : i32
      %dma_wait3A_451 = tpu.memref_slice %arg3[%add3A_375, %dma_wait3A_450] : memref<8192x768xf32, #tpu.memory_space<hbm>> -> memref<32x768xf32, #tpu.memory_space<hbm>>
      %dma_wait3A_452 = arith.constant 0 : i32
      %dma_wait3A_453 = arith.constant 0 : i32
      %dma_wait3A_454 = tpu.memref_slice %run_scoped3A[%dma_wait3A_443, %dma_wait3A_452, %dma_wait3A_453] : memref<4x32x768xf32, #tpu.memory_space<vmem>> -> memref<1x32x768xf32, #tpu.memory_space<vmem>>
      %dma_wait3A_455 = tpu.memref_squeeze %dma_wait3A_454 : memref<1x32x768xf32, #tpu.memory_space<vmem>> -> memref<32x768xf32, #tpu.memory_space<vmem>>
      tpu.wait_dma2 semaphore(%run_scoped3A_2 : memref<!tpu.dma_semaphore, #tpu.memory_space<semaphore_mem>>) src(%dma_wait3A_455 : memref<32x768xf32, #tpu.memory_space<vmem>>) dst(%dma_wait3A_451 : memref<32x768xf32, #tpu.memory_space<hbm>>)
      %dma_wait3A_456 = arith.constant 3 : i32
      %dma_wait3A_457 = arith.constant 0 : i32
      %dma_wait3A_458 = arith.constant 0 : i32
      %dma_wait3A_459 = tpu.memref_slice %run_scoped3A[%dma_wait3A_456, %dma_wait3A_457, %dma_wait3A_458] : memref<4x32x768xf32, #tpu.memory_space<vmem>> -> memref<1x32x768xf32, #tpu.memory_space<vmem>>
      %dma_wait3A_460 = tpu.memref_squeeze %dma_wait3A_459 : memref<1x32x768xf32, #tpu.memory_space<vmem>> -> memref<32x768xf32, #tpu.memory_space<vmem>>
      %dma_wait3A_461 = arith.constant 0 : i32
      %dma_wait3A_462 = tpu.memref_slice %arg3[%add3A_403, %dma_wait3A_461] : memref<8192x768xf32, #tpu.memory_space<hbm>> -> memref<32x768xf32, #tpu.memory_space<hbm>>
      %dma_wait3A_463 = arith.constant 0 : i32
      %dma_wait3A_464 = tpu.memref_slice %arg3[%add3A_403, %dma_wait3A_463] : memref<8192x768xf32, #tpu.memory_space<hbm>> -> memref<32x768xf32, #tpu.memory_space<hbm>>
      %dma_wait3A_465 = arith.constant 0 : i32
      %dma_wait3A_466 = arith.constant 0 : i32
      %dma_wait3A_467 = tpu.memref_slice %run_scoped3A[%dma_wait3A_456, %dma_wait3A_465, %dma_wait3A_466] : memref<4x32x768xf32, #tpu.memory_space<vmem>> -> memref<1x32x768xf32, #tpu.memory_space<vmem>>
      %dma_wait3A_468 = tpu.memref_squeeze %dma_wait3A_467 : memref<1x32x768xf32, #tpu.memory_space<vmem>> -> memref<32x768xf32, #tpu.memory_space<vmem>>
      tpu.wait_dma2 semaphore(%run_scoped3A_3 : memref<!tpu.dma_semaphore, #tpu.memory_space<semaphore_mem>>) src(%dma_wait3A_468 : memref<32x768xf32, #tpu.memory_space<vmem>>) dst(%dma_wait3A_464 : memref<32x768xf32, #tpu.memory_space<hbm>>)
      tpu.yield
    }) : () -> ()
    return
  }
}

</mosaic_0001>

<sc_bundles>
// kernel: kernel.3.cloned.1.call-start
scs
__scs_entry_jumppad:
0x0: {  	(pc) =	sbr.rel $0x88, $3  }
0x1: {  	(tag) =	ssettag $0x0;
	lr =	simm.s32 $0x1  }
0x2: {  	[smem:$0x3FA0] =	sst lr;
	_ =	strace $0xD0000000  }
0x3: {  	_ = 	snop  }
0x4: {  	_ = 	snop  }
0x5: {  	_ = 	snop  }
0x6: {  	_ = 	snop  }
0x7: {  	_ = 	snop  }
__scs_overlays_trampoline_lowered:
0x8: {  	[smem:$0x3FAF] =	sst s0  }
0x9: {  	[smem:$0x3FB0] =	sst s1  }
0xa: {  	[smem:$0x3FB1] =	sst s2  }
0xb: {  	[smem:$0x3FB2] =	sst s3  }
0xc: {  	[smem:$0x3FB3] =	sst s4  }
0xd: {  	[smem:$0x3FB4] =	sst s5  }
0xe: {  	[smem:$0x3FB5] =	sst s6  }
0xf: {  	[smem:$0x3FB6] =	sst s7  }
0x10: {  	[smem:$0x3FB7] =	sst s8  }
0x11: {  	[smem:$0x3FB8] =	sst s9;
	s0 =	simm.s32 @!p0 $0x0  }
0x12: {  	s1 =	sld [smem:$0x3F9E];
	s0 =	simm.s32 @p0 $0x1  }
0x13: {  	[smem:$0x3FB9] =	sst s0;
	s0 =	simm.s32 @!p1 $0x0  }
0x14: {  	s2 =	sld [smem:$0x3F9D];
	s0 =	simm.s32 @p1 $0x1  }
0x15: {  	[smem:$0x3FBA] =	sst s0;
	s0 =	simm.s32 @!p2 $0x0  }
0x16: {  	s3 =	sld [smem:$0x3FDB];
	s0 =	simm.s32 @p2 $0x1  }
0x17: {  	s4 =	simm.s32 $0x1BF5;
	[smem:$0x3FBC] =	sst s0  }
0x18: {  	s0 =	sld [smem:$0x3F9F];
	_ =	swait.ge [sflag:s4], $0x0  }
0x19: {  	s7 =	sld [smem:$0x3FA0]  }
0x1a: {  	s8 =	sadd.s32 $0xFFFFE003, lr  }
0x1b: {  	s9 =	sadd.s32 $0xFFFFFEF7, lr;
	s5 =	simm.s32 $0xFFFFFFFF;
	p2 =	slt.u32 s8, $0xFFFFF086  }
0x1c: {  	p1 =	slt.u32 s9, $0xF7A;
	s5 =	simm.s32 @!p2 $0x0  }
0x1d: {  	s5 =	simm.s32 @p1 $0x1;
	p0 =	seq.s32 s7, s2  }
0x1e: {  	s7 =	smul.u32 @!p0 $0xF7A, s2;
	p2 =	seq.s32 @!p0 s5, $0x0  }
0x1f: {  	s9 =	smul.u32 $0xF7A, s1;
	s8 =	simm.s32 @!p0 $0x1BF5;
	p2 =	por !p2, p0  }
0x20: {  	[sflag:s8] =	ssyncset.s32 @!p0 $0xFFFFF086;
	s6 =	sadd.s32 @!p0 s3, s7;
	s7 =	simm.s32 @!p0 $0x108  }
0x21: {  	s3 =	sadd.s32 s3, s9;
	s6 =	sadd.s32 @!p0 $0x88, s6;
	s7 =	simm.s32 @p2 $0x1082  }
0x22: {  	[simem:s7], [sflag:s8] =	dma.local @!p0 [hbm:s6], $0xF7A  }
0x23: {  	s9 =	sor.u32 $0xD0000000, s2;
	s6 =	simm.s32 $0x108;
	_ =	swait.ge @!p0 [sflag:s8], $0x0  }
0x24: {  	s3 =	sadd.s32 $0x88, s3;
	s6 =	simm.s32 @!p1 $0x1082;
	[sflag:s4] =	ssyncset.s32 $0xFFFFF086  }
0x25: {  	[simem:s6], [sflag:s4] =	dma.local [hbm:s3], $0xF7A  }
0x26: {  	[smem:$0x3FA0] =	sst s1;
	(tag) =	ssettag s2;
	_ =	strace s9  }
0x27: {  	s1 =	sld [smem:$0x3FB0]  }
0x28: {  	s2 =	sld [smem:$0x3FB1]  }
0x29: {  	s4 =	sld [smem:$0x3FB3]  }
0x2a: {  	p0 =	seq.s32 s5, $0x0;
	s5 =	sld [smem:$0x3FB4]  }
0x2b: {  	s6 =	sld [smem:$0x3FB5]  }
0x2c: {  	s7 =	sld [smem:$0x3FB6]  }
0x2d: {  	s3 =	simm.s32 $0x108;
	s8 =	sld [smem:$0x3FB7]  }
0x2e: {  	s3 =	simm.s32 @!p0 $0x1082;
	s9 =	sld [smem:$0x3FB8]  }
0x2f: {  	lr =	sadd.s32 s0, s3;
	s0 =	sld [smem:$0x3FAF]  }
0x30: {  	s3 =	sld [smem:$0x3FB2]  }
0x31: {  	[smem:$0x3FBB] =	sst s10  }
0x32: {  	s10 =	sld [smem:$0x3FB9];
	_ =	sdelay $0x3  }
0x33: {  	p0 =	seq.s32 s10, $0x1;
	s10 =	sld [smem:$0x3FBB];
	_ =	sdelay $0x3  }
0x34: {  	[smem:$0x3FBB] =	sst s10  }
0x35: {  	s10 =	sld [smem:$0x3FBA];
	_ =	sdelay $0x3  }
0x36: {  	p1 =	seq.s32 s10, $0x1;
	s10 =	sld [smem:$0x3FBB];
	_ =	sdelay $0x3  }
0x37: {  	[smem:$0x3FBB] =	sst s10  }
0x38: {  	s10 =	sld [smem:$0x3FBC]  }
0x39: {  	_ = 	snop;
	(pc) =	sbr.ind lr, $3  }
0x3a: {  	_ = 	snop  }
0x3b: {  	_ = 	snop  }
0x3c: {  	p2 =	seq.s32 s10, $0x1;
	s10 =	sld [smem:$0x3FBB]  }
0x3d: {  	_ =	shalt  }
0x3e: {  	_ =	shalt  }
0x3f: {  	_ =	shalt  }
0x40: {  	_ =	shalt  }
0x41: {  	_ =	shalt  }
0x42: {  	_ =	shalt  }
0x43: {  	_ =	shalt  }
0x44: {  	_ =	shalt  }
0x45: {  	_ =	shalt  }
0x46: {  	_ =	shalt  }
0x47: {  	_ =	shalt  }
0x48: {  	_ =	shalt  }
0x49: {  	_ =	shalt  }
0x4a: {  	_ =	shalt  }
0x4b: {  	_ =	shalt  }
0x4c: {  	_ =	shalt  }
0x4d: {  	_ =	shalt  }
0x4e: {  	_ =	shalt  }
0x4f: {  	_ =	shalt  }
0x50: {  	_ =	shalt  }
0x51: {  	_ =	shalt  }
0x52: {  	_ =	shalt  }
0x53: {  	_ =	shalt  }
0x54: {  	_ =	shalt  }
0x55: {  	_ =	shalt  }
0x56: {  	_ =	shalt  }
0x57: {  	_ =	shalt  }
0x58: {  	_ =	shalt  }
0x59: {  	_ =	shalt  }
0x5a: {  	_ =	shalt  }
0x5b: {  	_ =	shalt  }
0x5c: {  	_ =	shalt  }
0x5d: {  	_ =	shalt  }
0x5e: {  	_ =	shalt  }
0x5f: {  	_ =	shalt  }
0x60: {  	_ =	shalt  }
0x61: {  	_ =	shalt  }
0x62: {  	_ =	shalt  }
0x63: {  	_ =	shalt  }
0x64: {  	_ =	shalt  }
0x65: {  	_ =	shalt  }
0x66: {  	_ =	shalt  }
0x67: {  	_ =	shalt  }
0x68: {  	_ =	shalt  }
0x69: {  	_ =	shalt  }
0x6a: {  	_ =	shalt  }
0x6b: {  	_ =	shalt  }
0x6c: {  	_ =	shalt  }
0x6d: {  	_ =	shalt  }
0x6e: {  	_ =	shalt  }
0x6f: {  	_ =	shalt  }
0x70: {  	_ =	shalt  }
0x71: {  	_ =	shalt  }
0x72: {  	_ =	shalt  }
0x73: {  	_ =	shalt  }
0x74: {  	_ =	shalt  }
0x75: {  	_ =	shalt  }
0x76: {  	_ =	shalt  }
0x77: {  	_ =	shalt  }
0x78: {  	_ =	shalt  }
0x79: {  	_ =	shalt  }
0x7a: {  	_ =	shalt  }
0x7b: {  	_ =	shalt  }
0x7c: {  	_ =	shalt  }
0x7d: {  	_ =	shalt  }
0x7e: {  	_ =	shalt  }
0x7f: {  	_ =	shalt  }
0x80: {  	_ =	shalt  }
0x81: {  	_ =	shalt  }
0x82: {  	_ =	shalt  }
0x83: {  	_ =	shalt  }
0x84: {  	_ =	shalt  }
0x85: {  	_ =	shalt  }
0x86: {  	_ =	shalt  }
0x87: {  	_ =	shalt  }
.Lfunc_end0:
.L_simem_size_0:
called_computation_lowered:
.L_overlay_start_0:
0x88: {  	s2 =	sld [smem:$0x3FD9]  }
0x89: {  	s3 =	sld [smem:$0x3FFE];
	_ =	sdelay $0x1  }
0x8a: {  	s1 =	srdreg.scid  }
0x8b: {  	s0 =	sand.u32 $0x1, s1  }
0x8c: {  	s18 =	sshll.u32 s0, $0xA;
	s2 =	sadd.s32 s3, s2  }
0x8d: {  	s2 =	sadd.s32 s2, s18  }
0x8e: {  	[smem:$0x3FC7] =	sst s2  }
0x8f: {  	_ = 	snop  }
0x90: {  	s2 =	sld [smem:$0x3FC9]  }
0x91: {  	s19 =	sld [smem:$0x3FD0];
	(tm) =	ssettm $0x1  }
0x92: {  	s4 =	sld [smem:$0x3FFB];
	_ =	sdelay $0x3  }
0x93: {  	_ =	strace s4  }
0x94: {  	s4 =	sld [smem:$0x3FFC];
	_ =	sdelay $0x3  }
0x95: {  	_ =	strace s4  }
0x96: {  	s4 =	sld [smem:$0x3FFD];
	_ =	sdelay $0x3  }
0x97: {  	_ =	strace s4  }
0x98: {  	_ =	strace $0x8FFFFFFF  }
0x99: {  	s20 =	sld [smem:$0x3FDB];
	_ =	sdelay $0x1  }
0x9a: {  	s5 =	simm.s32 $_scs_section_size  }
0x9b: {  	s6 =	simm.s32 $_size__tile_overlayer_lowered;
	s7 =	simm.s32 $_tile_overlayer_lowered  }
0x9c: {  	s23 =	simm.s32 $0x1BFF;
	s22 =	sshll.u32 s7, $0x1;
	s4 =	sadd.s32 s5, s20  }
0x9d: {  	s8 =	simm.s32 $0x0;
	s21 =	sshll.u32 s6, $0x1;
	s6 =	sadd.s32 s22, s4  }
0x9e: {  	[timem:s8], [sflag:s23] =	dma.local [hbm:s6], s21  }
0x9f: {  	_ =	swait.ge [sflag:s23], s21  }
0xa0: {  	s5 =	ssub.s32 $0x0, s21;
	[sflag:s23] =	ssyncset.done $0x0  }
0xa1: {  	[sflag:s23] =	ssyncadd.s32 s5;
	_ =	sdelay $0x1  }
0xa2: {  	s24 =	simm.s32 $0x1B8B  }
0xa3: {  	_ =	swait.ge [sflag:s24], $0x1  }
0xa4: {  	[sflag:s24] =	ssyncset.done $0x0  }
0xa5: {  	s25 =	simm.s32 $0x1B8E;
	[sflag:s24] =	ssyncadd.s32 $0xFFFFFFFF  }
0xa6: {  	s26 =	simm.s32 $execute0_lowered;
	[smem:$0x3FD2] =	sst s25  }
0xa7: {  	s5 =	sshll.u32 s26, $0x1;
	_ =	strace $0x80000046;
	[dreg:$0x1] =	wrdreg $0xFFFFFFFF  }
0xa8: {  	s28 =	simm.s32 $_size_execute0_lowered;
	s4 =	sadd.s32 s4, s5;
	[dreg:$0x0] =	wrdreg $0x0  }
0xa9: {  	s5 =	sshll.u32 s28, $0x1;
	[dreg:$0x2] =	wrdreg s4  }
0xaa: {  	[dreg:$0x3] =	wrdreg s5  }
0xab: {  	[dreg:$0x4] =	wrdreg $0xC0  }
0xac: {  	_ =	task [dreg:s8], $0x5FFFF  }
0xad: {  	[dreg:$0x1] =	wrdreg $0xFFFFFFFF  }
0xae: {  	[dreg:$0x0] =	wrdreg $0x60  }
0xaf: {  	[dreg:$0x2] =	wrdreg s2  }
0xb0: {  	[dreg:$0x3] =	wrdreg s19  }
0xb1: {  	[dreg:$0x4] =	wrdreg $0x9  }
0xb2: {  	_ =	task.clear_ibuf [dreg:s8], $0x5FFFF;
	_ =	strace $0x90000046  }
0xb3: {  	s29 =	simm.s32 $0x9;
	_ =	strace $0x80000048  }
0xb4: {  	_ =	swait.ge [sflag:s29], $0x1  }
0xb5: {  	[sflag:s29] =	ssyncadd.s32 $0xFFFFFFFF  }
0xb6: {  	_ =	strace $0x90000048  }
0xb7: {  	_ =	sfence  }
0xb8: {  	s30 =	sld [smem:$0x0];
	_ =	sdelay $0x2  }
0xb9: {  	s31 =	sshll.u32 s1, $0xD;
	s1 =	sshrl.u32 s1, $0x2  }
0xba: {  	s3 =	sand.u32 $0x4000, s31;
	s1 =	sadd.s32 s1, s30  }
0xbb: {  	s0 =	sor.u32 s3, s0;
	s1 =	sshll.u32 s1, $0x11  }
0xbc: {  	s0 =	sor.u32 s1, s0  }
0xbd: {  	s0 =	sadd.s32 $0x8F2B, s0  }
0xbe: {  	[sflag:s0] =	ssyncadd.remote.s32 $0x1  }
0xbf: {  	_ =	sfence.sel $0xFFFF  }
0xc0: {  	[dreg:$0x0] =	wrdreg $0xFFFFFFFF;
	(pc) =	sbr.abs _section_cstart, $3  }
0xc1: {  	[dreg:$0x1] =	wrdreg $0xFFFFFFFF  }
0xc2: {  	_ =	task.clear_ibuf [dreg:s8], $0x2FFFF;
	_ =	strace $0x9FFFFFFF  }
0xc3: {  	(tm) =	ssettm $0x7FFFFFFF  }
tec
execute0_lowered:
.L_overlay_start_1:
0x0: {  	(tag) =	ssettag $0x1  }
0x1: {  	s1 =	srdreg.scid  }
0x2: {  	s0 =	stileid.u32;
	s26 =	sand.u32 $0x1, s1  }
0x3: {  	s21 =	rddreg [dreg:$0x0];
	s2 =	sshll.u32 s0, $0x5;
	s1 =	sshll.u32 s26, $0x9  }
0x4: {  	s25 =	rddreg [dreg:$0x1];
	s5 =	sor.u32 s2, s1;
	s2 =	simm.s32 $0x0  }
0x5: {  	s11 =	smul.u32 $0x300, s5;
	[smem:$0x7FF] =	sst s2  }
0x6: {  	s1 =	rddreg [dreg:$0x2];
	s5 =	smul.u32 $0x1800, s5;
	_ =	strace $0x80000047  }
0x7: {  	s15 =	sor.u32 $0xC00, s11;
	s3 =	sadd.s32 s21, s11;
	s18 =	sor.u32 $0x1800, s11  }
0x8: {  	[tilespmem:s2], [sflag:$0x1] =	stream.linear.gather [hbm4b:s3+s2], $0x6000, $0x38;
	[tilespmem:$0x18000] =	vst v63  }
0x9: {  	s22 =	sshrl.u32 s5, $0x3;
	s5 =	simm.s32 $0x6000;
	s4 =	sadd.s32 s21, s15  }
0xa: {  	[tilespmem:s5], [sflag:$0x2] =	stream.linear.gather [hbm4b:s4+s2], $0x6000, $0x38;
	[tilespmem:$0x18000] =	vst v63  }
0xb: {  	s7 =	simm.s32 $0xC000;
	s6 =	sadd.s32 s21, s18;
	s20 =	sadd.s32 $0x2400, s22  }
0xc: {  	[tilespmem:s7], [sflag:$0x1] =	stream.linear.gather [hbm4b:s6+s2], $0x6000, $0x38;
	[tilespmem:$0x18000] =	vst v63  }
0xd: {  	s9 =	simm.s32 $0x12000;
	s10 =	simm.s32 $0x1;
	s8 =	sadd.s32 s21, s20  }
0xe: {  	[tilespmem:s9], [sflag:$0x2] =	stream.linear.gather [hbm4b:s8+s2], $0x6000, $0x38;
	[tilespmem:$0x18000] =	vst v63  }
0xf: {  	_ =	swait.ge [sflag:s10], $0x6000  }
0x10: {  	[sflag:s10] =	ssyncset.done $0x0  }
0x11: {  	s12 =	simm.s32 $0x3;
	s11 =	sadd.s32 s25, s11;
	[sflag:s10] =	ssyncadd.s32 $0xFFFFA000  }
0x12: {  	[hbm4b:s11+s2] =	stream.linear.scatter [tilespmem:s2], [sflag:$0x3], $0x6000, $0x38;
	[tilespmem:$0x18000] =	vst v63  }
0x13: {  	_ =	swait.ge [sflag:s12], $0x6000  }
0x14: {  	s23 =	sadd.s32 $0x3000, s22;
	[sflag:s12] =	ssyncset.done $0x0  }
0x15: {  	s14 =	simm.s32 $0x2;
	s13 =	sadd.s32 s21, s23;
	[sflag:s12] =	ssyncadd.s32 $0xFFFFA000  }
0x16: {  	[tilespmem:s2], [sflag:$0x1] =	stream.linear.gather [hbm4b:s13+s2], $0x6000, $0x38;
	[tilespmem:$0x18000] =	vst v63  }
0x17: {  	_ =	swait.ge [sflag:s14], $0x6000  }
0x18: {  	[sflag:s14] =	ssyncset.done $0x0  }
0x19: {  	s16 =	sadd.s32 s25, s15;
	s15 =	simm.s32 $0x4;
	[sflag:s14] =	ssyncadd.s32 $0xFFFFA000  }
0x1a: {  	[hbm4b:s16+s2] =	stream.linear.scatter [tilespmem:s5], [sflag:$0x4], $0x6000, $0x38;
	[tilespmem:$0x18000] =	vst v63  }
0x1b: {  	_ =	swait.ge [sflag:s15], $0x6000  }
0x1c: {  	s24 =	sadd.s32 $0x3C00, s22;
	[sflag:s15] =	ssyncset.done $0x0  }
0x1d: {  	s17 =	sadd.s32 s21, s24;
	[sflag:s15] =	ssyncadd.s32 $0xFFFFA000  }
0x1e: {  	[tilespmem:s5], [sflag:$0x2] =	stream.linear.gather [hbm4b:s17+s2], $0x6000, $0x38;
	[tilespmem:$0x18000] =	vst v63  }
0x1f: {  	_ =	swait.ge [sflag:s10], $0x6000  }
0x20: {  	[sflag:s10] =	ssyncset.done $0x0  }
0x21: {  	s18 =	sadd.s32 s25, s18;
	[sflag:s10] =	ssyncadd.s32 $0xFFFFA000  }
0x22: {  	[hbm4b:s18+s2] =	stream.linear.scatter [tilespmem:s7], [sflag:$0x3], $0x6000, $0x38;
	[tilespmem:$0x18000] =	vst v63  }
0x23: {  	_ =	swait.ge [sflag:s12], $0x6000  }
0x24: {  	s28 =	sadd.s32 $0x4800, s22;
	[sflag:s12] =	ssyncset.done $0x0  }
0x25: {  	s19 =	sadd.s32 s21, s28;
	[sflag:s12] =	ssyncadd.s32 $0xFFFFA000  }
0x26: {  	[tilespmem:s7], [sflag:$0x1] =	stream.linear.gather [hbm4b:s19+s2], $0x6000, $0x38;
	[tilespmem:$0x18000] =	vst v63  }
0x27: {  	_ =	swait.ge [sflag:s14], $0x6000  }
0x28: {  	[sflag:s14] =	ssyncset.done $0x0  }
0x29: {  	s20 =	sadd.s32 s25, s20;
	[sflag:s14] =	ssyncadd.s32 $0xFFFFA000  }
0x2a: {  	[hbm4b:s20+s2] =	stream.linear.scatter [tilespmem:s9], [sflag:$0x4], $0x6000, $0x38;
	[tilespmem:$0x18000] =	vst v63  }
0x2b: {  	_ =	swait.ge [sflag:s15], $0x6000  }
0x2c: {  	s29 =	sadd.s32 $0x5400, s22;
	[sflag:s15] =	ssyncset.done $0x0  }
0x2d: {  	s21 =	sadd.s32 s21, s29;
	[sflag:s15] =	ssyncadd.s32 $0xFFFFA000  }
0x2e: {  	[tilespmem:s9], [sflag:$0x2] =	stream.linear.gather [hbm4b:s21+s2], $0x6000, $0x38;
	[tilespmem:$0x18000] =	vst v63  }
0x2f: {  	_ =	swait.ge [sflag:s10], $0x6000  }
0x30: {  	[sflag:s10] =	ssyncset.done $0x0  }
0x31: {  	s22 =	sadd.s32 s25, s23;
	[sflag:s10] =	ssyncadd.s32 $0xFFFFA000  }
0x32: {  	[hbm4b:s22+s2] =	stream.linear.scatter [tilespmem:s2], [sflag:$0x3], $0x6000, $0x38;
	[tilespmem:$0x18000] =	vst v63  }
0x33: {  	_ =	swait.ge [sflag:s14], $0x6000  }
0x34: {  	[sflag:s14] =	ssyncset.done $0x0  }
0x35: {  	s23 =	sadd.s32 s25, s24;
	[sflag:s14] =	ssyncadd.s32 $0xFFFFA000  }
0x36: {  	[hbm4b:s23+s2] =	stream.linear.scatter [tilespmem:s5], [sflag:$0x4], $0x6000, $0x38;
	[tilespmem:$0x18000] =	vst v63  }
0x37: {  	_ =	swait.ge [sflag:s10], $0x6000  }
0x38: {  	[sflag:s10] =	ssyncset.done $0x0  }
0x39: {  	s24 =	sadd.s32 s25, s28;
	[sflag:s10] =	ssyncadd.s32 $0xFFFFA000  }
0x3a: {  	[hbm4b:s24+s2] =	stream.linear.scatter [tilespmem:s7], [sflag:$0x3], $0x6000, $0x38;
	[tilespmem:$0x18000] =	vst v63  }
0x3b: {  	_ =	swait.ge [sflag:s14], $0x6000  }
0x3c: {  	[sflag:s14] =	ssyncset.done $0x0  }
0x3d: {  	s25 =	sadd.s32 s25, s29;
	[sflag:s14] =	ssyncadd.s32 $0xFFFFA000  }
0x3e: {  	[hbm4b:s25+s2] =	stream.linear.scatter [tilespmem:s9], [sflag:$0x4], $0x6000, $0x38;
	[tilespmem:$0x18000] =	vst v63  }
0x3f: {  	_ =	swait.ge [sflag:s12], $0x6000  }
0x40: {  	s26 =	ssub.s32 $0x2, s26;
	[sflag:s12] =	ssyncset.done $0x0  }
0x41: {  	s31 =	sshrl.u32 s26, $0x1;
	[sflag:s12] =	ssyncadd.s32 $0xFFFFA000  }
0x42: {  	s26 =	ssub.s32 s26, s31;
	_ =	swait.ge [sflag:s15], $0x6000  }
0x43: {  	s26 =	smax.u32 s26, $0x1;
	[sflag:s15] =	ssyncset.done $0x0  }
0x44: {  	p0 =	sne.s32 s26, $0x1;
	[sflag:s15] =	ssyncadd.s32 $0xFFFFA000  }
.Ltmp0:
0x45: {  	_ =	swait.ge [sflag:s12], $0x6000;
	(pc) =	sbr.rel @!p0 .LBB2_2-.Ltmp0, $4  }
0x46: {  	[sflag:s12] =	ssyncset.done $0x0  }
0x47: {  	[sflag:s12] =	ssyncadd.s32 $0xFFFFA000  }
0x48: {  	_ =	swait.ge [sflag:s15], $0x6000  }
0x49: {  	s26 =	sadd.s32 $0xFFFFFFFF, s26;
	[sflag:s15] =	ssyncset.done $0x0  }
.LBB2_1:
0x4a: {  	p0 =	sne.s32 s26, $0x1;
	s26 =	sadd.s32 $0xFFFFFFFF, s26;
	[sflag:s15] =	ssyncadd.s32 $0xFFFFA000  }
0x4b: {  	[tilespmem:s2], [sflag:$0x1] =	stream.linear.gather [hbm4b:s3+s2], $0x6000, $0x38;
	[tilespmem:$0x18000] =	vst v63  }
0x4c: {  	_ = 	snop  }
0x4d: {  	[tilespmem:s5], [sflag:$0x2] =	stream.linear.gather [hbm4b:s4+s2], $0x6000, $0x38;
	[tilespmem:$0x18000] =	vst v63  }
0x4e: {  	_ = 	snop  }
0x4f: {  	[tilespmem:s7], [sflag:$0x1] =	stream.linear.gather [hbm4b:s6+s2], $0x6000, $0x38;
	[tilespmem:$0x18000] =	vst v63  }
0x50: {  	_ = 	snop  }
0x51: {  	[tilespmem:s9], [sflag:$0x2] =	stream.linear.gather [hbm4b:s8+s2], $0x6000, $0x38;
	[tilespmem:$0x18000] =	vst v63  }
0x52: {  	_ =	swait.ge [sflag:s10], $0x6000  }
0x53: {  	[sflag:s10] =	ssyncset.done $0x0  }
0x54: {  	[sflag:s10] =	ssyncadd.s32 $0xFFFFA000  }
0x55: {  	[hbm4b:s11+s2] =	stream.linear.scatter [tilespmem:s2], [sflag:$0x3], $0x6000, $0x38;
	[tilespmem:$0x18000] =	vst v63  }
0x56: {  	_ =	swait.ge [sflag:s12], $0x6000  }
0x57: {  	[sflag:s12] =	ssyncset.done $0x0  }
0x58: {  	[sflag:s12] =	ssyncadd.s32 $0xFFFFA000  }
0x59: {  	[tilespmem:s2], [sflag:$0x1] =	stream.linear.gather [hbm4b:s13+s2], $0x6000, $0x38;
	[tilespmem:$0x18000] =	vst v63  }
0x5a: {  	_ =	swait.ge [sflag:s14], $0x6000  }
0x5b: {  	[sflag:s14] =	ssyncset.done $0x0  }
0x5c: {  	[sflag:s14] =	ssyncadd.s32 $0xFFFFA000  }
0x5d: {  	[hbm4b:s16+s2] =	stream.linear.scatter [tilespmem:s5], [sflag:$0x4], $0x6000, $0x38;
	[tilespmem:$0x18000] =	vst v63  }
0x5e: {  	_ =	swait.ge [sflag:s15], $0x6000  }
0x5f: {  	[sflag:s15] =	ssyncset.done $0x0  }
0x60: {  	[sflag:s15] =	ssyncadd.s32 $0xFFFFA000  }
0x61: {  	[tilespmem:s5], [sflag:$0x2] =	stream.linear.gather [hbm4b:s17+s2], $0x6000, $0x38;
	[tilespmem:$0x18000] =	vst v63  }
0x62: {  	_ =	swait.ge [sflag:s10], $0x6000  }
0x63: {  	[sflag:s10] =	ssyncset.done $0x0  }
0x64: {  	[sflag:s10] =	ssyncadd.s32 $0xFFFFA000  }
0x65: {  	[hbm4b:s18+s2] =	stream.linear.scatter [tilespmem:s7], [sflag:$0x3], $0x6000, $0x38;
	[tilespmem:$0x18000] =	vst v63  }
0x66: {  	_ =	swait.ge [sflag:s12], $0x6000  }
0x67: {  	[sflag:s12] =	ssyncset.done $0x0  }
0x68: {  	[sflag:s12] =	ssyncadd.s32 $0xFFFFA000  }
0x69: {  	[tilespmem:s7], [sflag:$0x1] =	stream.linear.gather [hbm4b:s19+s2], $0x6000, $0x38;
	[tilespmem:$0x18000] =	vst v63  }
0x6a: {  	_ =	swait.ge [sflag:s14], $0x6000  }
0x6b: {  	[sflag:s14] =	ssyncset.done $0x0  }
0x6c: {  	[sflag:s14] =	ssyncadd.s32 $0xFFFFA000  }
0x6d: {  	[hbm4b:s20+s2] =	stream.linear.scatter [tilespmem:s9], [sflag:$0x4], $0x6000, $0x38;
	[tilespmem:$0x18000] =	vst v63  }
0x6e: {  	_ =	swait.ge [sflag:s15], $0x6000  }
0x6f: {  	[sflag:s15] =	ssyncset.done $0x0  }
0x70: {  	[sflag:s15] =	ssyncadd.s32 $0xFFFFA000  }
0x71: {  	[tilespmem:s9], [sflag:$0x2] =	stream.linear.gather [hbm4b:s21+s2], $0x6000, $0x38;
	[tilespmem:$0x18000] =	vst v63  }
0x72: {  	_ =	swait.ge [sflag:s10], $0x6000  }
0x73: {  	[sflag:s10] =	ssyncset.done $0x0  }
0x74: {  	[sflag:s10] =	ssyncadd.s32 $0xFFFFA000  }
0x75: {  	[hbm4b:s22+s2] =	stream.linear.scatter [tilespmem:s2], [sflag:$0x3], $0x6000, $0x38;
	[tilespmem:$0x18000] =	vst v63  }
0x76: {  	_ =	swait.ge [sflag:s14], $0x6000  }
0x77: {  	[sflag:s14] =	ssyncset.done $0x0  }
0x78: {  	[sflag:s14] =	ssyncadd.s32 $0xFFFFA000  }
0x79: {  	[hbm4b:s23+s2] =	stream.linear.scatter [tilespmem:s5], [sflag:$0x4], $0x6000, $0x38;
	[tilespmem:$0x18000] =	vst v63  }
0x7a: {  	_ =	swait.ge [sflag:s10], $0x6000  }
0x7b: {  	[sflag:s10] =	ssyncset.done $0x0  }
0x7c: {  	[sflag:s10] =	ssyncadd.s32 $0xFFFFA000  }
0x7d: {  	[hbm4b:s24+s2] =	stream.linear.scatter [tilespmem:s7], [sflag:$0x3], $0x6000, $0x38;
	[tilespmem:$0x18000] =	vst v63  }
0x7e: {  	_ =	swait.ge [sflag:s14], $0x6000  }
0x7f: {  	[sflag:s14] =	ssyncset.done $0x0  }
0x80: {  	[sflag:s14] =	ssyncadd.s32 $0xFFFFA000  }
0x81: {  	[hbm4b:s25+s2] =	stream.linear.scatter [tilespmem:s9], [sflag:$0x4], $0x6000, $0x38;
	[tilespmem:$0x18000] =	vst v63  }
0x82: {  	_ =	swait.ge [sflag:s12], $0x6000  }
0x83: {  	[sflag:s12] =	ssyncset.done $0x0  }
0x84: {  	[sflag:s12] =	ssyncadd.s32 $0xFFFFA000  }
0x85: {  	_ =	swait.ge [sflag:s15], $0x6000  }
0x86: {  	[sflag:s15] =	ssyncset.done $0x0  }
0x87: {  	[sflag:s15] =	ssyncadd.s32 $0xFFFFA000  }
.Ltmp1:
0x88: {  	_ =	swait.ge [sflag:s12], $0x6000;
	(pc) =	sbr.rel @p0 .LBB2_1-.Ltmp1, $4  }
0x89: {  	[sflag:s12] =	ssyncset.done $0x0  }
0x8a: {  	[sflag:s12] =	ssyncadd.s32 $0xFFFFA000  }
0x8b: {  	_ =	swait.ge [sflag:s15], $0x6000  }
0x8c: {  	[sflag:s15] =	ssyncset.done $0x0  }
.LBB2_2:
0x8d: {  	[sflag:s15] =	ssyncadd.s32 $0xFFFFA000  }
0x8e: {  	_ =	sfence.sel $0x180000  }
0x8f: {  	[bflag:$0x0] =	sbarrier.arrive $0xFFFF  }
0x90: {  	p0 =	sne.s32 s0, $0x0;
	_ =	strace $0x90000047  }
0x91: {  	s0 =	sadd.s32 @!p0 $0x100000, s1;
	[bflag:$0x2] =	sbarrier.arrive $0xFFFF  }
0x92: {  	[sflag:s0] =	ssyncadd.tile.s32 @!p0 $0x1;
	_ =	shalt  }
.Lfunc_end2:
_tile_overlayer_lowered:
.L_overlay_start_2:
0x93: {  	(tag) =	ssettag $0x2  }
0x94: {  	s0 =	rddreg [dreg:$0x0];
	s2 =	stileid.u32  }
0x95: {  	s1 =	rddreg [dreg:$0x1];
	p0 =	sne.s32 s2, $0x0  }
0x96: {  	s3 =	rddreg [dreg:$0x2];
	[bflag:$0x3] =	sbarrier.arrive $0xFFFF;
	s2 =	simm.s32 @!p0 $0x1C01  }
0x97: {  	[timem:s3], [sflag:s2] =	dma.local @!p0 [hbm:s0], s1  }
0x98: {  	s0 =	simm.s32 @!p0 $0x1  }
0x99: {  	_ =	swait.ge @!p0 [sflag:s0], s1  }
0x9a: {  	s1 =	ssub.s32 @!p0 $0x0, s1;
	[sflag:s0] =	ssyncset.done @!p0 $0x0  }
0x9b: {  	[sflag:s0] =	ssyncadd.s32 @!p0 s1  }
0x9c: {  	[bflag:$0x3] =	sbarrier.arrive $0xFFFF  }
0x9d: {  	_ =	shalt  }

</sc_bundles>
